<compile_context>
chip_gen: v7x
topology: tpu7x:2x2x1
jax: 0.10.2.dev20260603
libtpu: 0.0.44.dev20260713+nightly
codegen_flags: <defaults>
</compile_context>

<pallas_src>
import functools

import jax
import jax.numpy as jnp
from jax import lax
from jax.experimental import pallas as pl
from jax.experimental.pallas import tpu as pltpu
from jax.experimental.pallas import tpu_sc as plsc

_B, _C, _N, _K = 2, 64, 2048, 20
_MID, _OUT = 64, 128
_PB = 512
_EB = _PB * _K
_NT = _B * _N // _PB
_M = _B * _N * _K
_TW = 128
_NW = 32
_CH = 320
_HP = jax.lax.Precision.HIGHEST
_PBK = 512


def _prep_body(x_ref, p_ref, wa_ref, wb_ref, wd_ref, t_ref, c_ref):
    x = x_ref[...]
    p = p_ref[...]
    xa = jnp.dot(x, wa_ref[...], preferred_element_type=jnp.float32,
                 precision=_HP)
    pq = jnp.dot(p, wb_ref[...], preferred_element_type=jnp.float32,
                 precision=_HP)
    t_ref[...] = jnp.concatenate(
        [xa + pq, p, jnp.zeros((_B * _N, _TW - _C - 16), jnp.float32)], axis=1)
    c_ref[...] = jnp.dot(x, wd_ref[...], preferred_element_type=jnp.float32,
                         precision=_HP) - pq


def _knn_body(p_ref, pt_ref, o_ref):
    b = pl.program_id(0)
    pr = p_ref[0]
    pt = pt_ref[0]
    sqr = jnp.sum(pr * pr, axis=1, keepdims=True)
    sqa = jnp.sum(pt * pt, axis=0, keepdims=True)
    e = jnp.dot(pr.astype(jnp.bfloat16), pt.astype(jnp.bfloat16),
                preferred_element_type=jnp.float32)
    d2 = (sqr + sqa) - 2.0 * e
    d2 = jnp.maximum(d2, 1e-12)
    iota = lax.broadcasted_iota(jnp.int32, (_PBK, _N), 1)
    cols = []
    for k in range(_K):
        mv = jnp.min(d2, axis=1, keepdims=True)
        cand = jnp.where(d2 == mv, iota, _N)
        j = jnp.min(cand, axis=1, keepdims=True)
        cols.append(j)
        if k + 1 < _K:
            d2 = jnp.where(iota == j, jnp.inf, d2)
    o_ref[0] = jnp.concatenate(cols, axis=1) + b * _N


def _dist_body(gp_ref, p_ref, o_ref):
    gp = gp_ref[...][:, _C:_C + 16]
    pn = p_ref[...]
    d3 = pn[:, None, :] - gp.reshape(_PB, _K, 16)
    lane = lax.broadcasted_iota(jnp.int32, (_PB, _K, 16), 2)
    dd = jnp.where(lane < 3, d3 + 1e-6, 0.0)
    o_ref[...] = jnp.sqrt(jnp.sum(dd * dd, axis=2))


def _conv1_body(g_ref, c_ref, ds_ref, wc_ref, y_ref, st_ref):
    i = pl.program_id(0)
    gx = g_ref[...][:, :_C]
    c = c_ref[...]
    ds = ds_ref[...]
    wc = wc_ref[...].reshape(1, 1, _C)
    y3 = gx.reshape(_PB, _K, _C) + c[:, None, :] + ds[:, :, None] * wc
    y = y3.reshape(_EB, _C)
    y_ref[...] = y.astype(jnp.bfloat16)
    ps = jnp.sum(y, axis=0, keepdims=True)
    pq = jnp.sum(y * y, axis=0, keepdims=True)

    @pl.when(i == 0)
    def _():
        st_ref[...] = jnp.zeros_like(st_ref)

    st_ref[...] += jnp.concatenate([ps, pq], axis=0)


def _conv2_body(y_ref, sst_ref, w_ref, m_ref, st_ref):
    i = pl.program_id(0)
    y = y_ref[...].astype(jnp.float32)
    sst = sst_ref[...]
    h = y * sst[0:1, :] + sst[1:2, :]
    h = jnp.where(h > 0, h, 0.2 * h)
    y2 = jnp.dot(h.astype(jnp.bfloat16), w_ref[...],
                 preferred_element_type=jnp.float32)
    ps = jnp.sum(y2, axis=0, keepdims=True)
    pq = jnp.sum(y2 * y2, axis=0, keepdims=True)

    @pl.when(i == 0)
    def _():
        st_ref[...] = jnp.zeros_like(st_ref)

    st_ref[...] += jnp.concatenate([ps, pq], axis=0)
    m_ref[...] = jnp.max(y2.reshape(_PB, _K, _OUT), axis=1)


def _final_body(m_ref, sst_ref, o_ref):
    sst = sst_ref[...]
    v = m_ref[...] * sst[0:1, :] + sst[1:2, :]
    o_ref[...] = jnp.where(v > 0, v, 0.2 * v)


def _make_sc_gather():
    mesh = plsc.VectorSubcoreMesh(core_axis_name="c", subcore_axis_name="s")
    per_w = _M // _NW
    nch = per_w // _CH

    @functools.partial(
        pl.kernel,
        out_type=jax.ShapeDtypeStruct((_M, _TW), jnp.float32),
        mesh=mesh,
        scratch_types=[
            pltpu.VMEM((per_w,), jnp.int32),
            pltpu.VMEM((_CH, _TW), jnp.float32),
            pltpu.VMEM((_CH, _TW), jnp.float32),
            pltpu.SemaphoreType.DMA,
            pltpu.SemaphoreType.DMA,
        ],
    )
    def gather_k(t_hbm, idx_hbm, g_hbm, idx_v, buf0, buf1, sem0, sem1):
        wid = lax.axis_index("s") * 2 + lax.axis_index("c")
        base = wid * per_w
        pltpu.sync_copy(idx_hbm.at[pl.ds(base, per_w)], idx_v)
        bufs, sems = (buf0, buf1), (sem0, sem1)
        cps = [None] * nch
        cps[0] = pltpu.async_copy(
            t_hbm.at[idx_v.at[pl.ds(0, _CH)]], bufs[0], sems[0])
        for ci in range(nch):
            if ci + 1 < nch:
                cps[ci + 1] = pltpu.async_copy(
                    t_hbm.at[idx_v.at[pl.ds((ci + 1) * _CH, _CH)]],
                    bufs[(ci + 1) % 2], sems[(ci + 1) % 2])
            cps[ci].wait()
            pltpu.sync_copy(bufs[ci % 2], g_hbm.at[pl.ds(base + ci * _CH, _CH)])

    return gather_k


_gather_cache = []


def _gather_rows(tbl, idx):
    if not _gather_cache:
        _gather_cache.append(_make_sc_gather())
    return _gather_cache[0](tbl, idx)


def kernel(x, pos, W1, b1, g1, be1, W2, b2, g2, be2):
    f32 = jnp.float32
    x_t = x.transpose(0, 2, 1).reshape(_B * _N, _C)
    p_t = pos.transpose(0, 2, 1).reshape(_B * _N, 3)
    p16 = jnp.pad(p_t, ((0, 0), (0, 13)))
    W1a = W1[:, :_C]
    W1b = W1[:, _C:_C + 3]
    W1c = W1[:, _C + 3:_C + 4]
    W1d = W1[:, _C + 4:]
    wa_t = W1a.T
    wb_t = jnp.pad(W1b, ((0, 0), (0, 13))).T
    wd_t = (W1d - W1a).T
    wc_row = W1c.T
    w2_t = W2.T.astype(jnp.bfloat16)

    tbl, c_t = pl.pallas_call(
        _prep_body,
        out_shape=[jax.ShapeDtypeStruct((_B * _N, _TW), f32),
                   jax.ShapeDtypeStruct((_B * _N, _C), f32)],
    )(x_t, p16, wa_t, wb_t, wd_t)

    p3 = p16.reshape(_B, _N, 16)
    p3t = p3.transpose(0, 2, 1)
    idxf = pl.pallas_call(
        _knn_body,
        grid=(_B, _N // _PBK),
        in_specs=[
            pl.BlockSpec((1, _PBK, 16), lambda b, i: (b, i, 0)),
            pl.BlockSpec((1, 16, _N), lambda b, i: (b, 0, 0)),
        ],
        out_specs=pl.BlockSpec((1, _PBK, _K), lambda b, i: (b, i, 0)),
        out_shape=jax.ShapeDtypeStruct((_B, _N, _K), jnp.int32),
    )(p3, p3t)

    g_rows = _gather_rows(tbl, idxf.reshape(_M))

    dist_nk = pl.pallas_call(
        _dist_body,
        grid=(_NT,),
        in_specs=[
            pl.BlockSpec((_EB, _TW), lambda i: (i, 0)),
            pl.BlockSpec((_PB, 16), lambda i: (i, 0)),
        ],
        out_specs=pl.BlockSpec((_PB, _K), lambda i: (i, 0)),
        out_shape=jax.ShapeDtypeStruct((_B * _N, _K), f32),
    )(g_rows, p16)

    ds = (dist_nk.reshape(_B, _N, _K).transpose(0, 2, 1)
          .reshape(_B * _N, _K))

    y1, st1 = pl.pallas_call(
        _conv1_body,
        grid=(_NT,),
        in_specs=[
            pl.BlockSpec((_EB, _TW), lambda i: (i, 0)),
            pl.BlockSpec((_PB, _C), lambda i: (i, 0)),
            pl.BlockSpec((_PB, _K), lambda i: (i, 0)),
            pl.BlockSpec((1, _C), lambda i: (0, 0)),
        ],
        out_specs=[
            pl.BlockSpec((_EB, _C), lambda i: (i, 0)),
            pl.BlockSpec((2, _C), lambda i: (0, 0)),
        ],
        out_shape=[jax.ShapeDtypeStruct((_M, _C), jnp.bfloat16),
                   jax.ShapeDtypeStruct((2, _C), f32)],
    )(g_rows, c_t, ds, wc_row)

    mean1 = st1[0] / _M
    var1 = st1[1] / _M - mean1 * mean1
    sc1 = g1 / jnp.sqrt(var1 + 1e-5)
    sh1 = be1 - mean1 * sc1
    sst1 = jnp.stack([sc1, sh1])

    m, st2 = pl.pallas_call(
        _conv2_body,
        grid=(_NT,),
        in_specs=[
            pl.BlockSpec((_EB, _C), lambda i: (i, 0)),
            pl.BlockSpec((2, _C), lambda i: (0, 0)),
            pl.BlockSpec((_C, _OUT), lambda i: (0, 0)),
        ],
        out_specs=[
            pl.BlockSpec((_PB, _OUT), lambda i: (i, 0)),
            pl.BlockSpec((2, _OUT), lambda i: (0, 0)),
        ],
        out_shape=[jax.ShapeDtypeStruct((_B * _N, _OUT), f32),
                   jax.ShapeDtypeStruct((2, _OUT), f32)],
    )(y1, sst1, w2_t)

    mean2 = st2[0] / _M
    var2 = st2[1] / _M - mean2 * mean2
    sc2 = g2 / jnp.sqrt(var2 + 1e-5)
    sh2 = be2 - mean2 * sc2
    sst2 = jnp.stack([sc2, sh2])

    out_t = pl.pallas_call(
        _final_body,
        out_shape=jax.ShapeDtypeStruct((_B * _N, _OUT), f32),
    )(m, sst2)

    return out_t.reshape(_B, _N, _OUT).transpose(0, 2, 1)

# --- scband reference (transcript-rebuilt; emitter-appended) ---
"""Pipeline reference for scband-discriminator-54511724921068 (READ-ONLY COPY).

The authoritative reference and input builder live on the scoring server;
editing this copy changes nothing except your own understanding.
"""

import jax, jax.numpy as jnp
import numpy as np

B, C, N, K = 2, 64, 2048, 20
MID, OUT = 64, 128
IN_DIMS = 2 * C + 4  # 132


def knn_idx(pos, k):
    # pos: [B, 3, N] -> idx [B, N, k] of nearest neighbors (includes self)
    p = jnp.transpose(pos, (0, 2, 1))  # [B, N, 3]
    sq = jnp.sum(p * p, axis=-1)
    d2 = sq[:, :, None] + sq[:, None, :] - 2.0 * jnp.einsum('bnd,bmd->bnm', p, p)
    d = jnp.sqrt(jnp.maximum(d2, 1e-12))
    _, idx = jax.lax.top_k(-d, k)
    return idx


def get_graph_feature(x, pos, k):
    b, c, n = x.shape
    idx = knn_idx(pos, k)  # [B, N, k]
    idx_flat = (idx + jnp.arange(b)[:, None, None] * n).reshape(-1)
    x_t = jnp.transpose(x, (0, 2, 1)).reshape(b * n, c)
    feature = x_t[idx_flat].reshape(b, n, k, c)
    x_rep = jnp.broadcast_to(x_t.reshape(b, n, 1, c), (b, n, k, c))
    pos_t = jnp.transpose(pos, (0, 2, 1)).reshape(b * n, 3)
    feature_pos = pos_t[idx_flat].reshape(b, n, k, 3)
    pos_rep = jnp.broadcast_to(pos_t.reshape(b, n, 1, 3), (b, n, k, 3))
    # torch nn.PairwiseDistance (old semantics: reduce over dim=1) on permuted tensors,
    # followed by .view(B, N, k, 1) on the contiguous [B,1,k,N] result (row-major reshape)
    x_pos2 = jnp.transpose(pos_rep, (0, 3, 2, 1))        # [B,3,k,N]
    feature_pos2 = jnp.transpose(feature_pos, (0, 3, 2, 1))
    diff = x_pos2 - feature_pos2 + 1e-6
    dist = jnp.sqrt(jnp.sum(diff * diff, axis=1, keepdims=True))  # [B,1,k,N]
    feature_add = dist.reshape(b, n, k, 1)
    feat = jnp.concatenate([feature - x_rep, feature_pos - pos_rep, feature_add, x_rep], axis=3)
    return jnp.transpose(feat, (0, 3, 1, 2))  # [B, 2C+4, N, k]


def bn2d(y, gamma, beta):
    mean = jnp.mean(y, axis=(0, 2, 3), keepdims=True)
    var = jnp.var(y, axis=(0, 2, 3), keepdims=True)
    yhat = (y - mean) / jnp.sqrt(var + 1e-5)
    return gamma[None, :, None, None] * yhat + beta[None, :, None, None]


def lrelu(y):
    return jnp.where(y > 0, y, 0.2 * y)


def setup_inputs(seed: int = 0) -> dict:
    key = jax.random.key(seed)
    ks = jax.random.split(key, 6)
    x = jax.random.normal(ks[0], (B, C, N), dtype=jnp.float32)
    pos = jax.random.normal(ks[1], (B, 3, N), dtype=jnp.float32)
    W1 = jax.random.normal(ks[2], (MID, IN_DIMS), dtype=jnp.float32) / np.sqrt(IN_DIMS)
    b1 = jnp.zeros((MID,), dtype=jnp.float32)
    g1 = jnp.ones((MID,), dtype=jnp.float32)
    be1 = jnp.zeros((MID,), dtype=jnp.float32)
    W2 = jax.random.normal(ks[3], (OUT, MID), dtype=jnp.float32) / np.sqrt(MID)
    b2 = jnp.zeros((OUT,), dtype=jnp.float32)
    g2 = jnp.ones((OUT,), dtype=jnp.float32)
    be2 = jnp.zeros((OUT,), dtype=jnp.float32)
    return {"x": x, "pos": pos, "W1": W1, "b1": b1, "g1": g1, "be1": be1,
            "W2": W2, "b2": b2, "g2": g2, "be2": be2}


def reference(x, pos, W1, b1, g1, be1, W2, b2, g2, be2):
    feat = get_graph_feature(x, pos, K)                       # [B, 132, N, K]
    y = jnp.einsum('bcnk,oc->bonk', feat, W1) + b1[None, :, None, None]
    y = lrelu(bn2d(y, g1, be1))
    y = jnp.einsum('bcnk,oc->bonk', y, W2) + b2[None, :, None, None]
    y = lrelu(bn2d(y, g2, be2))
    return jnp.max(y, axis=-1)                                # [B, OUT, N]

if __name__ == "__main__":
    import jax
    _d = setup_inputs()
    print(jax.jit(kernel)(*tuple(_d.values())))

</pallas_src>

<mosaic_0001>
#map = affine_map<(d0, d1) -> (0, 0)>
#map1 = affine_map<(d0, d1) -> (0)>
module attributes {stable_mosaic.version = 14 : i64} {
  func.func @gather_k(%arg0: i32, %arg1: i32, %arg2: memref<4096x128xf32, #tpu.memory_space<hbm>>, %arg3: memref<81920xi32, #tpu.memory_space<hbm>>, %arg4: memref<81920x128xf32, #tpu.memory_space<hbm>>, %arg5: memref<2560xi32, #tpu.memory_space<vmem>>, %arg6: memref<320x128xf32, #tpu.memory_space<vmem>>, %arg7: memref<320x128xf32, #tpu.memory_space<vmem>>, %arg8: memref<!tpu.dma_semaphore, #tpu.memory_space<semaphore_mem>>, %arg9: memref<!tpu.dma_semaphore, #tpu.memory_space<semaphore_mem>>) attributes {dimension_semantics = [#tpu.dimension_semantics<core_parallel>, #tpu.dimension_semantics<subcore_parallel>], iteration_bounds = array<i64: 2, 16>, scalar_prefetch = 0 : i64, scratch_operands = 5 : i64, tpu.core_type = #tpu.core_type<sc_vector_subcore>, window_params = [{transform_indices = #map}, {transform_indices = #map1}, {transform_indices = #map}]} {
    %mul3A = arith.constant 2 : i32
    %mul3A_0 = arith.muli %arg1, %mul3A : i32
    %add3A = arith.addi %mul3A_0, %arg0 : i32
    %mul3A_1 = arith.constant 2560 : i32
    %mul3A_2 = arith.muli %add3A, %mul3A_1 : i32
    "tpu.region"() ({
      %run_scoped3A = tpu.sem_alloc : memref<!tpu.dma_semaphore, #tpu.memory_space<semaphore_mem>>
      %dma_start3A_97 = tpu.memref_slice %arg3[%mul3A_2] : memref<81920xi32, #tpu.memory_space<hbm>> -> memref<2560xi32, #tpu.memory_space<hbm>>
      %dma_start3A_98 = tpu.memref_slice %arg3[%mul3A_2] : memref<81920xi32, #tpu.memory_space<hbm>> -> memref<2560xi32, #tpu.memory_space<hbm>>
      tpu.enqueue_dma source(%dma_start3A_98 : memref<2560xi32, #tpu.memory_space<hbm>>) target(%arg5 : memref<2560xi32, #tpu.memory_space<vmem>>) target_semaphore(%run_scoped3A : memref<!tpu.dma_semaphore, #tpu.memory_space<semaphore_mem>>)
      %dma_wait3A_99 = tpu.memref_slice %arg3[%mul3A_2] : memref<81920xi32, #tpu.memory_space<hbm>> -> memref<2560xi32, #tpu.memory_space<hbm>>
      %dma_wait3A_100 = tpu.memref_slice %arg3[%mul3A_2] : memref<81920xi32, #tpu.memory_space<hbm>> -> memref<2560xi32, #tpu.memory_space<hbm>>
      tpu.wait_dma2 semaphore(%run_scoped3A : memref<!tpu.dma_semaphore, #tpu.memory_space<semaphore_mem>>) src(%dma_wait3A_100 : memref<2560xi32, #tpu.memory_space<hbm>>) dst(%arg5 : memref<2560xi32, #tpu.memory_space<vmem>>)
      tpu.yield
    }) : () -> ()
    %dma_start3A = arith.constant 0 : i32
    %dma_start3A_3 = tpu.memref_slice %arg5[%dma_start3A] : memref<2560xi32, #tpu.memory_space<vmem>> -> memref<320xi32, #tpu.memory_space<vmem>>
    %dma_start3A_4 = arith.constant 0 : i32
    %dma_start3A_5 = arith.constant 0 : i32
    %dma_start3A_6 = tpu.memref_slice %arg2[%dma_start3A_4, %dma_start3A_5] : memref<4096x128xf32, #tpu.memory_space<hbm>> -> memref<4096x128xf32, #tpu.memory_space<hbm>>
    tpu.enqueue_indirect_dma source(%dma_start3A_6 : memref<4096x128xf32, #tpu.memory_space<hbm>>) target(%arg6 : memref<320x128xf32, #tpu.memory_space<vmem>>) offsets(%dma_start3A_3 : memref<320xi32, #tpu.memory_space<vmem>>) semaphore(%arg8 : memref<!tpu.dma_semaphore, #tpu.memory_space<semaphore_mem>>)
    %dma_start3A_7 = arith.constant 320 : i32
    %dma_start3A_8 = tpu.memref_slice %arg5[%dma_start3A_7] : memref<2560xi32, #tpu.memory_space<vmem>> -> memref<320xi32, #tpu.memory_space<vmem>>
    %dma_start3A_9 = arith.constant 0 : i32
    %dma_start3A_10 = arith.constant 0 : i32
    %dma_start3A_11 = tpu.memref_slice %arg2[%dma_start3A_9, %dma_start3A_10] : memref<4096x128xf32, #tpu.memory_space<hbm>> -> memref<4096x128xf32, #tpu.memory_space<hbm>>
    tpu.enqueue_indirect_dma source(%dma_start3A_11 : memref<4096x128xf32, #tpu.memory_space<hbm>>) target(%arg7 : memref<320x128xf32, #tpu.memory_space<vmem>>) offsets(%dma_start3A_8 : memref<320xi32, #tpu.memory_space<vmem>>) semaphore(%arg9 : memref<!tpu.dma_semaphore, #tpu.memory_space<semaphore_mem>>)
    %dma_wait3A = arith.constant 0 : i32
    %dma_wait3A_12 = tpu.memref_slice %arg5[%dma_wait3A] : memref<2560xi32, #tpu.memory_space<vmem>> -> memref<320xi32, #tpu.memory_space<vmem>>
    %dma_wait3A_13 = arith.constant 0 : i32
    %dma_wait3A_14 = arith.constant 0 : i32
    %dma_wait3A_15 = tpu.memref_slice %arg2[%dma_wait3A_13, %dma_wait3A_14] : memref<4096x128xf32, #tpu.memory_space<hbm>> -> memref<4096x128xf32, #tpu.memory_space<hbm>>
    tpu.wait_indirect_dma semaphore(%arg8 : memref<!tpu.dma_semaphore, #tpu.memory_space<semaphore_mem>>) src(%dma_wait3A_15 : memref<4096x128xf32, #tpu.memory_space<hbm>>) dst(%arg6 : memref<320x128xf32, #tpu.memory_space<vmem>>)
    %add3A_16 = arith.constant 0 : i32
    %add3A_17 = arith.addi %mul3A_2, %add3A_16 : i32
    "tpu.region"() ({
      %run_scoped3A = tpu.sem_alloc : memref<!tpu.dma_semaphore, #tpu.memory_space<semaphore_mem>>
      %dma_start3A_97 = arith.constant 0 : i32
      %dma_start3A_98 = tpu.memref_slice %arg4[%add3A_17, %dma_start3A_97] : memref<81920x128xf32, #tpu.memory_space<hbm>> -> memref<320x128xf32, #tpu.memory_space<hbm>>
      %dma_start3A_99 = arith.constant 0 : i32
      %dma_start3A_100 = tpu.memref_slice %arg4[%add3A_17, %dma_start3A_99] : memref<81920x128xf32, #tpu.memory_space<hbm>> -> memref<320x128xf32, #tpu.memory_space<hbm>>
      tpu.enqueue_dma source(%arg6 : memref<320x128xf32, #tpu.memory_space<vmem>>) target(%dma_start3A_100 : memref<320x128xf32, #tpu.memory_space<hbm>>) target_semaphore(%run_scoped3A : memref<!tpu.dma_semaphore, #tpu.memory_space<semaphore_mem>>)
      %dma_wait3A_101 = arith.constant 0 : i32
      %dma_wait3A_102 = tpu.memref_slice %arg4[%add3A_17, %dma_wait3A_101] : memref<81920x128xf32, #tpu.memory_space<hbm>> -> memref<320x128xf32, #tpu.memory_space<hbm>>
      %dma_wait3A_103 = arith.constant 0 : i32
      %dma_wait3A_104 = tpu.memref_slice %arg4[%add3A_17, %dma_wait3A_103] : memref<81920x128xf32, #tpu.memory_space<hbm>> -> memref<320x128xf32, #tpu.memory_space<hbm>>
      tpu.wait_dma2 semaphore(%run_scoped3A : memref<!tpu.dma_semaphore, #tpu.memory_space<semaphore_mem>>) src(%arg6 : memref<320x128xf32, #tpu.memory_space<vmem>>) dst(%dma_wait3A_104 : memref<320x128xf32, #tpu.memory_space<hbm>>)
      tpu.yield
    }) : () -> ()
    %dma_start3A_18 = arith.constant 640 : i32
    %dma_start3A_19 = tpu.memref_slice %arg5[%dma_start3A_18] : memref<2560xi32, #tpu.memory_space<vmem>> -> memref<320xi32, #tpu.memory_space<vmem>>
    %dma_start3A_20 = arith.constant 0 : i32
    %dma_start3A_21 = arith.constant 0 : i32
    %dma_start3A_22 = tpu.memref_slice %arg2[%dma_start3A_20, %dma_start3A_21] : memref<4096x128xf32, #tpu.memory_space<hbm>> -> memref<4096x128xf32, #tpu.memory_space<hbm>>
    tpu.enqueue_indirect_dma source(%dma_start3A_22 : memref<4096x128xf32, #tpu.memory_space<hbm>>) target(%arg6 : memref<320x128xf32, #tpu.memory_space<vmem>>) offsets(%dma_start3A_19 : memref<320xi32, #tpu.memory_space<vmem>>) semaphore(%arg8 : memref<!tpu.dma_semaphore, #tpu.memory_space<semaphore_mem>>)
    %dma_wait3A_23 = arith.constant 320 : i32
    %dma_wait3A_24 = tpu.memref_slice %arg5[%dma_wait3A_23] : memref<2560xi32, #tpu.memory_space<vmem>> -> memref<320xi32, #tpu.memory_space<vmem>>
    %dma_wait3A_25 = arith.constant 0 : i32
    %dma_wait3A_26 = arith.constant 0 : i32
    %dma_wait3A_27 = tpu.memref_slice %arg2[%dma_wait3A_25, %dma_wait3A_26] : memref<4096x128xf32, #tpu.memory_space<hbm>> -> memref<4096x128xf32, #tpu.memory_space<hbm>>
    tpu.wait_indirect_dma semaphore(%arg9 : memref<!tpu.dma_semaphore, #tpu.memory_space<semaphore_mem>>) src(%dma_wait3A_27 : memref<4096x128xf32, #tpu.memory_space<hbm>>) dst(%arg7 : memref<320x128xf32, #tpu.memory_space<vmem>>)
    %add3A_28 = arith.constant 320 : i32
    %add3A_29 = arith.addi %mul3A_2, %add3A_28 : i32
    "tpu.region"() ({
      %run_scoped3A = tpu.sem_alloc : memref<!tpu.dma_semaphore, #tpu.memory_space<semaphore_mem>>
      %dma_start3A_97 = arith.constant 0 : i32
      %dma_start3A_98 = tpu.memref_slice %arg4[%add3A_29, %dma_start3A_97] : memref<81920x128xf32, #tpu.memory_space<hbm>> -> memref<320x128xf32, #tpu.memory_space<hbm>>
      %dma_start3A_99 = arith.constant 0 : i32
      %dma_start3A_100 = tpu.memref_slice %arg4[%add3A_29, %dma_start3A_99] : memref<81920x128xf32, #tpu.memory_space<hbm>> -> memref<320x128xf32, #tpu.memory_space<hbm>>
      tpu.enqueue_dma source(%arg7 : memref<320x128xf32, #tpu.memory_space<vmem>>) target(%dma_start3A_100 : memref<320x128xf32, #tpu.memory_space<hbm>>) target_semaphore(%run_scoped3A : memref<!tpu.dma_semaphore, #tpu.memory_space<semaphore_mem>>)
      %dma_wait3A_101 = arith.constant 0 : i32
      %dma_wait3A_102 = tpu.memref_slice %arg4[%add3A_29, %dma_wait3A_101] : memref<81920x128xf32, #tpu.memory_space<hbm>> -> memref<320x128xf32, #tpu.memory_space<hbm>>
      %dma_wait3A_103 = arith.constant 0 : i32
      %dma_wait3A_104 = tpu.memref_slice %arg4[%add3A_29, %dma_wait3A_103] : memref<81920x128xf32, #tpu.memory_space<hbm>> -> memref<320x128xf32, #tpu.memory_space<hbm>>
      tpu.wait_dma2 semaphore(%run_scoped3A : memref<!tpu.dma_semaphore, #tpu.memory_space<semaphore_mem>>) src(%arg7 : memref<320x128xf32, #tpu.memory_space<vmem>>) dst(%dma_wait3A_104 : memref<320x128xf32, #tpu.memory_space<hbm>>)
      tpu.yield
    }) : () -> ()
    %dma_start3A_30 = arith.constant 960 : i32
    %dma_start3A_31 = tpu.memref_slice %arg5[%dma_start3A_30] : memref<2560xi32, #tpu.memory_space<vmem>> -> memref<320xi32, #tpu.memory_space<vmem>>
    %dma_start3A_32 = arith.constant 0 : i32
    %dma_start3A_33 = arith.constant 0 : i32
    %dma_start3A_34 = tpu.memref_slice %arg2[%dma_start3A_32, %dma_start3A_33] : memref<4096x128xf32, #tpu.memory_space<hbm>> -> memref<4096x128xf32, #tpu.memory_space<hbm>>
    tpu.enqueue_indirect_dma source(%dma_start3A_34 : memref<4096x128xf32, #tpu.memory_space<hbm>>) target(%arg7 : memref<320x128xf32, #tpu.memory_space<vmem>>) offsets(%dma_start3A_31 : memref<320xi32, #tpu.memory_space<vmem>>) semaphore(%arg9 : memref<!tpu.dma_semaphore, #tpu.memory_space<semaphore_mem>>)
    %dma_wait3A_35 = arith.constant 640 : i32
    %dma_wait3A_36 = tpu.memref_slice %arg5[%dma_wait3A_35] : memref<2560xi32, #tpu.memory_space<vmem>> -> memref<320xi32, #tpu.memory_space<vmem>>
    %dma_wait3A_37 = arith.constant 0 : i32
    %dma_wait3A_38 = arith.constant 0 : i32
    %dma_wait3A_39 = tpu.memref_slice %arg2[%dma_wait3A_37, %dma_wait3A_38] : memref<4096x128xf32, #tpu.memory_space<hbm>> -> memref<4096x128xf32, #tpu.memory_space<hbm>>
    tpu.wait_indirect_dma semaphore(%arg8 : memref<!tpu.dma_semaphore, #tpu.memory_space<semaphore_mem>>) src(%dma_wait3A_39 : memref<4096x128xf32, #tpu.memory_space<hbm>>) dst(%arg6 : memref<320x128xf32, #tpu.memory_space<vmem>>)
    %add3A_40 = arith.constant 640 : i32
    %add3A_41 = arith.addi %mul3A_2, %add3A_40 : i32
    "tpu.region"() ({
      %run_scoped3A = tpu.sem_alloc : memref<!tpu.dma_semaphore, #tpu.memory_space<semaphore_mem>>
      %dma_start3A_97 = arith.constant 0 : i32
      %dma_start3A_98 = tpu.memref_slice %arg4[%add3A_41, %dma_start3A_97] : memref<81920x128xf32, #tpu.memory_space<hbm>> -> memref<320x128xf32, #tpu.memory_space<hbm>>
      %dma_start3A_99 = arith.constant 0 : i32
      %dma_start3A_100 = tpu.memref_slice %arg4[%add3A_41, %dma_start3A_99] : memref<81920x128xf32, #tpu.memory_space<hbm>> -> memref<320x128xf32, #tpu.memory_space<hbm>>
      tpu.enqueue_dma source(%arg6 : memref<320x128xf32, #tpu.memory_space<vmem>>) target(%dma_start3A_100 : memref<320x128xf32, #tpu.memory_space<hbm>>) target_semaphore(%run_scoped3A : memref<!tpu.dma_semaphore, #tpu.memory_space<semaphore_mem>>)
      %dma_wait3A_101 = arith.constant 0 : i32
      %dma_wait3A_102 = tpu.memref_slice %arg4[%add3A_41, %dma_wait3A_101] : memref<81920x128xf32, #tpu.memory_space<hbm>> -> memref<320x128xf32, #tpu.memory_space<hbm>>
      %dma_wait3A_103 = arith.constant 0 : i32
      %dma_wait3A_104 = tpu.memref_slice %arg4[%add3A_41, %dma_wait3A_103] : memref<81920x128xf32, #tpu.memory_space<hbm>> -> memref<320x128xf32, #tpu.memory_space<hbm>>
      tpu.wait_dma2 semaphore(%run_scoped3A : memref<!tpu.dma_semaphore, #tpu.memory_space<semaphore_mem>>) src(%arg6 : memref<320x128xf32, #tpu.memory_space<vmem>>) dst(%dma_wait3A_104 : memref<320x128xf32, #tpu.memory_space<hbm>>)
      tpu.yield
    }) : () -> ()
    %dma_start3A_42 = arith.constant 1280 : i32
    %dma_start3A_43 = tpu.memref_slice %arg5[%dma_start3A_42] : memref<2560xi32, #tpu.memory_space<vmem>> -> memref<320xi32, #tpu.memory_space<vmem>>
    %dma_start3A_44 = arith.constant 0 : i32
    %dma_start3A_45 = arith.constant 0 : i32
    %dma_start3A_46 = tpu.memref_slice %arg2[%dma_start3A_44, %dma_start3A_45] : memref<4096x128xf32, #tpu.memory_space<hbm>> -> memref<4096x128xf32, #tpu.memory_space<hbm>>
    tpu.enqueue_indirect_dma source(%dma_start3A_46 : memref<4096x128xf32, #tpu.memory_space<hbm>>) target(%arg6 : memref<320x128xf32, #tpu.memory_space<vmem>>) offsets(%dma_start3A_43 : memref<320xi32, #tpu.memory_space<vmem>>) semaphore(%arg8 : memref<!tpu.dma_semaphore, #tpu.memory_space<semaphore_mem>>)
    %dma_wait3A_47 = arith.constant 960 : i32
    %dma_wait3A_48 = tpu.memref_slice %arg5[%dma_wait3A_47] : memref<2560xi32, #tpu.memory_space<vmem>> -> memref<320xi32, #tpu.memory_space<vmem>>
    %dma_wait3A_49 = arith.constant 0 : i32
    %dma_wait3A_50 = arith.constant 0 : i32
    %dma_wait3A_51 = tpu.memref_slice %arg2[%dma_wait3A_49, %dma_wait3A_50] : memref<4096x128xf32, #tpu.memory_space<hbm>> -> memref<4096x128xf32, #tpu.memory_space<hbm>>
    tpu.wait_indirect_dma semaphore(%arg9 : memref<!tpu.dma_semaphore, #tpu.memory_space<semaphore_mem>>) src(%dma_wait3A_51 : memref<4096x128xf32, #tpu.memory_space<hbm>>) dst(%arg7 : memref<320x128xf32, #tpu.memory_space<vmem>>)
    %add3A_52 = arith.constant 960 : i32
    %add3A_53 = arith.addi %mul3A_2, %add3A_52 : i32
    "tpu.region"() ({
      %run_scoped3A = tpu.sem_alloc : memref<!tpu.dma_semaphore, #tpu.memory_space<semaphore_mem>>
      %dma_start3A_97 = arith.constant 0 : i32
      %dma_start3A_98 = tpu.memref_slice %arg4[%add3A_53, %dma_start3A_97] : memref<81920x128xf32, #tpu.memory_space<hbm>> -> memref<320x128xf32, #tpu.memory_space<hbm>>
      %dma_start3A_99 = arith.constant 0 : i32
      %dma_start3A_100 = tpu.memref_slice %arg4[%add3A_53, %dma_start3A_99] : memref<81920x128xf32, #tpu.memory_space<hbm>> -> memref<320x128xf32, #tpu.memory_space<hbm>>
      tpu.enqueue_dma source(%arg7 : memref<320x128xf32, #tpu.memory_space<vmem>>) target(%dma_start3A_100 : memref<320x128xf32, #tpu.memory_space<hbm>>) target_semaphore(%run_scoped3A : memref<!tpu.dma_semaphore, #tpu.memory_space<semaphore_mem>>)
      %dma_wait3A_101 = arith.constant 0 : i32
      %dma_wait3A_102 = tpu.memref_slice %arg4[%add3A_53, %dma_wait3A_101] : memref<81920x128xf32, #tpu.memory_space<hbm>> -> memref<320x128xf32, #tpu.memory_space<hbm>>
      %dma_wait3A_103 = arith.constant 0 : i32
      %dma_wait3A_104 = tpu.memref_slice %arg4[%add3A_53, %dma_wait3A_103] : memref<81920x128xf32, #tpu.memory_space<hbm>> -> memref<320x128xf32, #tpu.memory_space<hbm>>
      tpu.wait_dma2 semaphore(%run_scoped3A : memref<!tpu.dma_semaphore, #tpu.memory_space<semaphore_mem>>) src(%arg7 : memref<320x128xf32, #tpu.memory_space<vmem>>) dst(%dma_wait3A_104 : memref<320x128xf32, #tpu.memory_space<hbm>>)
      tpu.yield
    }) : () -> ()
    %dma_start3A_54 = arith.constant 1600 : i32
    %dma_start3A_55 = tpu.memref_slice %arg5[%dma_start3A_54] : memref<2560xi32, #tpu.memory_space<vmem>> -> memref<320xi32, #tpu.memory_space<vmem>>
    %dma_start3A_56 = arith.constant 0 : i32
    %dma_start3A_57 = arith.constant 0 : i32
    %dma_start3A_58 = tpu.memref_slice %arg2[%dma_start3A_56, %dma_start3A_57] : memref<4096x128xf32, #tpu.memory_space<hbm>> -> memref<4096x128xf32, #tpu.memory_space<hbm>>
    tpu.enqueue_indirect_dma source(%dma_start3A_58 : memref<4096x128xf32, #tpu.memory_space<hbm>>) target(%arg7 : memref<320x128xf32, #tpu.memory_space<vmem>>) offsets(%dma_start3A_55 : memref<320xi32, #tpu.memory_space<vmem>>) semaphore(%arg9 : memref<!tpu.dma_semaphore, #tpu.memory_space<semaphore_mem>>)
    %dma_wait3A_59 = arith.constant 1280 : i32
    %dma_wait3A_60 = tpu.memref_slice %arg5[%dma_wait3A_59] : memref<2560xi32, #tpu.memory_space<vmem>> -> memref<320xi32, #tpu.memory_space<vmem>>
    %dma_wait3A_61 = arith.constant 0 : i32
    %dma_wait3A_62 = arith.constant 0 : i32
    %dma_wait3A_63 = tpu.memref_slice %arg2[%dma_wait3A_61, %dma_wait3A_62] : memref<4096x128xf32, #tpu.memory_space<hbm>> -> memref<4096x128xf32, #tpu.memory_space<hbm>>
    tpu.wait_indirect_dma semaphore(%arg8 : memref<!tpu.dma_semaphore, #tpu.memory_space<semaphore_mem>>) src(%dma_wait3A_63 : memref<4096x128xf32, #tpu.memory_space<hbm>>) dst(%arg6 : memref<320x128xf32, #tpu.memory_space<vmem>>)
    %add3A_64 = arith.constant 1280 : i32
    %add3A_65 = arith.addi %mul3A_2, %add3A_64 : i32
    "tpu.region"() ({
      %run_scoped3A = tpu.sem_alloc : memref<!tpu.dma_semaphore, #tpu.memory_space<semaphore_mem>>
      %dma_start3A_97 = arith.constant 0 : i32
      %dma_start3A_98 = tpu.memref_slice %arg4[%add3A_65, %dma_start3A_97] : memref<81920x128xf32, #tpu.memory_space<hbm>> -> memref<320x128xf32, #tpu.memory_space<hbm>>
      %dma_start3A_99 = arith.constant 0 : i32
      %dma_start3A_100 = tpu.memref_slice %arg4[%add3A_65, %dma_start3A_99] : memref<81920x128xf32, #tpu.memory_space<hbm>> -> memref<320x128xf32, #tpu.memory_space<hbm>>
      tpu.enqueue_dma source(%arg6 : memref<320x128xf32, #tpu.memory_space<vmem>>) target(%dma_start3A_100 : memref<320x128xf32, #tpu.memory_space<hbm>>) target_semaphore(%run_scoped3A : memref<!tpu.dma_semaphore, #tpu.memory_space<semaphore_mem>>)
      %dma_wait3A_101 = arith.constant 0 : i32
      %dma_wait3A_102 = tpu.memref_slice %arg4[%add3A_65, %dma_wait3A_101] : memref<81920x128xf32, #tpu.memory_space<hbm>> -> memref<320x128xf32, #tpu.memory_space<hbm>>
      %dma_wait3A_103 = arith.constant 0 : i32
      %dma_wait3A_104 = tpu.memref_slice %arg4[%add3A_65, %dma_wait3A_103] : memref<81920x128xf32, #tpu.memory_space<hbm>> -> memref<320x128xf32, #tpu.memory_space<hbm>>
      tpu.wait_dma2 semaphore(%run_scoped3A : memref<!tpu.dma_semaphore, #tpu.memory_space<semaphore_mem>>) src(%arg6 : memref<320x128xf32, #tpu.memory_space<vmem>>) dst(%dma_wait3A_104 : memref<320x128xf32, #tpu.memory_space<hbm>>)
      tpu.yield
    }) : () -> ()
    %dma_start3A_66 = arith.constant 1920 : i32
    %dma_start3A_67 = tpu.memref_slice %arg5[%dma_start3A_66] : memref<2560xi32, #tpu.memory_space<vmem>> -> memref<320xi32, #tpu.memory_space<vmem>>
    %dma_start3A_68 = arith.constant 0 : i32
    %dma_start3A_69 = arith.constant 0 : i32
    %dma_start3A_70 = tpu.memref_slice %arg2[%dma_start3A_68, %dma_start3A_69] : memref<4096x128xf32, #tpu.memory_space<hbm>> -> memref<4096x128xf32, #tpu.memory_space<hbm>>
    tpu.enqueue_indirect_dma source(%dma_start3A_70 : memref<4096x128xf32, #tpu.memory_space<hbm>>) target(%arg6 : memref<320x128xf32, #tpu.memory_space<vmem>>) offsets(%dma_start3A_67 : memref<320xi32, #tpu.memory_space<vmem>>) semaphore(%arg8 : memref<!tpu.dma_semaphore, #tpu.memory_space<semaphore_mem>>)
    %dma_wait3A_71 = arith.constant 1600 : i32
    %dma_wait3A_72 = tpu.memref_slice %arg5[%dma_wait3A_71] : memref<2560xi32, #tpu.memory_space<vmem>> -> memref<320xi32, #tpu.memory_space<vmem>>
    %dma_wait3A_73 = arith.constant 0 : i32
    %dma_wait3A_74 = arith.constant 0 : i32
    %dma_wait3A_75 = tpu.memref_slice %arg2[%dma_wait3A_73, %dma_wait3A_74] : memref<4096x128xf32, #tpu.memory_space<hbm>> -> memref<4096x128xf32, #tpu.memory_space<hbm>>
    tpu.wait_indirect_dma semaphore(%arg9 : memref<!tpu.dma_semaphore, #tpu.memory_space<semaphore_mem>>) src(%dma_wait3A_75 : memref<4096x128xf32, #tpu.memory_space<hbm>>) dst(%arg7 : memref<320x128xf32, #tpu.memory_space<vmem>>)
    %add3A_76 = arith.constant 1600 : i32
    %add3A_77 = arith.addi %mul3A_2, %add3A_76 : i32
    "tpu.region"() ({
      %run_scoped3A = tpu.sem_alloc : memref<!tpu.dma_semaphore, #tpu.memory_space<semaphore_mem>>
      %dma_start3A_97 = arith.constant 0 : i32
      %dma_start3A_98 = tpu.memref_slice %arg4[%add3A_77, %dma_start3A_97] : memref<81920x128xf32, #tpu.memory_space<hbm>> -> memref<320x128xf32, #tpu.memory_space<hbm>>
      %dma_start3A_99 = arith.constant 0 : i32
      %dma_start3A_100 = tpu.memref_slice %arg4[%add3A_77, %dma_start3A_99] : memref<81920x128xf32, #tpu.memory_space<hbm>> -> memref<320x128xf32, #tpu.memory_space<hbm>>
      tpu.enqueue_dma source(%arg7 : memref<320x128xf32, #tpu.memory_space<vmem>>) target(%dma_start3A_100 : memref<320x128xf32, #tpu.memory_space<hbm>>) target_semaphore(%run_scoped3A : memref<!tpu.dma_semaphore, #tpu.memory_space<semaphore_mem>>)
      %dma_wait3A_101 = arith.constant 0 : i32
      %dma_wait3A_102 = tpu.memref_slice %arg4[%add3A_77, %dma_wait3A_101] : memref<81920x128xf32, #tpu.memory_space<hbm>> -> memref<320x128xf32, #tpu.memory_space<hbm>>
      %dma_wait3A_103 = arith.constant 0 : i32
      %dma_wait3A_104 = tpu.memref_slice %arg4[%add3A_77, %dma_wait3A_103] : memref<81920x128xf32, #tpu.memory_space<hbm>> -> memref<320x128xf32, #tpu.memory_space<hbm>>
      tpu.wait_dma2 semaphore(%run_scoped3A : memref<!tpu.dma_semaphore, #tpu.memory_space<semaphore_mem>>) src(%arg7 : memref<320x128xf32, #tpu.memory_space<vmem>>) dst(%dma_wait3A_104 : memref<320x128xf32, #tpu.memory_space<hbm>>)
      tpu.yield
    }) : () -> ()
    %dma_start3A_78 = arith.constant 2240 : i32
    %dma_start3A_79 = tpu.memref_slice %arg5[%dma_start3A_78] : memref<2560xi32, #tpu.memory_space<vmem>> -> memref<320xi32, #tpu.memory_space<vmem>>
    %dma_start3A_80 = arith.constant 0 : i32
    %dma_start3A_81 = arith.constant 0 : i32
    %dma_start3A_82 = tpu.memref_slice %arg2[%dma_start3A_80, %dma_start3A_81] : memref<4096x128xf32, #tpu.memory_space<hbm>> -> memref<4096x128xf32, #tpu.memory_space<hbm>>
    tpu.enqueue_indirect_dma source(%dma_start3A_82 : memref<4096x128xf32, #tpu.memory_space<hbm>>) target(%arg7 : memref<320x128xf32, #tpu.memory_space<vmem>>) offsets(%dma_start3A_79 : memref<320xi32, #tpu.memory_space<vmem>>) semaphore(%arg9 : memref<!tpu.dma_semaphore, #tpu.memory_space<semaphore_mem>>)
    %dma_wait3A_83 = arith.constant 1920 : i32
    %dma_wait3A_84 = tpu.memref_slice %arg5[%dma_wait3A_83] : memref<2560xi32, #tpu.memory_space<vmem>> -> memref<320xi32, #tpu.memory_space<vmem>>
    %dma_wait3A_85 = arith.constant 0 : i32
    %dma_wait3A_86 = arith.constant 0 : i32
    %dma_wait3A_87 = tpu.memref_slice %arg2[%dma_wait3A_85, %dma_wait3A_86] : memref<4096x128xf32, #tpu.memory_space<hbm>> -> memref<4096x128xf32, #tpu.memory_space<hbm>>
    tpu.wait_indirect_dma semaphore(%arg8 : memref<!tpu.dma_semaphore, #tpu.memory_space<semaphore_mem>>) src(%dma_wait3A_87 : memref<4096x128xf32, #tpu.memory_space<hbm>>) dst(%arg6 : memref<320x128xf32, #tpu.memory_space<vmem>>)
    %add3A_88 = arith.constant 1920 : i32
    %add3A_89 = arith.addi %mul3A_2, %add3A_88 : i32
    "tpu.region"() ({
      %run_scoped3A = tpu.sem_alloc : memref<!tpu.dma_semaphore, #tpu.memory_space<semaphore_mem>>
      %dma_start3A_97 = arith.constant 0 : i32
      %dma_start3A_98 = tpu.memref_slice %arg4[%add3A_89, %dma_start3A_97] : memref<81920x128xf32, #tpu.memory_space<hbm>> -> memref<320x128xf32, #tpu.memory_space<hbm>>
      %dma_start3A_99 = arith.constant 0 : i32
      %dma_start3A_100 = tpu.memref_slice %arg4[%add3A_89, %dma_start3A_99] : memref<81920x128xf32, #tpu.memory_space<hbm>> -> memref<320x128xf32, #tpu.memory_space<hbm>>
      tpu.enqueue_dma source(%arg6 : memref<320x128xf32, #tpu.memory_space<vmem>>) target(%dma_start3A_100 : memref<320x128xf32, #tpu.memory_space<hbm>>) target_semaphore(%run_scoped3A : memref<!tpu.dma_semaphore, #tpu.memory_space<semaphore_mem>>)
      %dma_wait3A_101 = arith.constant 0 : i32
      %dma_wait3A_102 = tpu.memref_slice %arg4[%add3A_89, %dma_wait3A_101] : memref<81920x128xf32, #tpu.memory_space<hbm>> -> memref<320x128xf32, #tpu.memory_space<hbm>>
      %dma_wait3A_103 = arith.constant 0 : i32
      %dma_wait3A_104 = tpu.memref_slice %arg4[%add3A_89, %dma_wait3A_103] : memref<81920x128xf32, #tpu.memory_space<hbm>> -> memref<320x128xf32, #tpu.memory_space<hbm>>
      tpu.wait_dma2 semaphore(%run_scoped3A : memref<!tpu.dma_semaphore, #tpu.memory_space<semaphore_mem>>) src(%arg6 : memref<320x128xf32, #tpu.memory_space<vmem>>) dst(%dma_wait3A_104 : memref<320x128xf32, #tpu.memory_space<hbm>>)
      tpu.yield
    }) : () -> ()
    %dma_wait3A_90 = arith.constant 2240 : i32
    %dma_wait3A_91 = tpu.memref_slice %arg5[%dma_wait3A_90] : memref<2560xi32, #tpu.memory_space<vmem>> -> memref<320xi32, #tpu.memory_space<vmem>>
    %dma_wait3A_92 = arith.constant 0 : i32
    %dma_wait3A_93 = arith.constant 0 : i32
    %dma_wait3A_94 = tpu.memref_slice %arg2[%dma_wait3A_92, %dma_wait3A_93] : memref<4096x128xf32, #tpu.memory_space<hbm>> -> memref<4096x128xf32, #tpu.memory_space<hbm>>
    tpu.wait_indirect_dma semaphore(%arg9 : memref<!tpu.dma_semaphore, #tpu.memory_space<semaphore_mem>>) src(%dma_wait3A_94 : memref<4096x128xf32, #tpu.memory_space<hbm>>) dst(%arg7 : memref<320x128xf32, #tpu.memory_space<vmem>>)
    %add3A_95 = arith.constant 2240 : i32
    %add3A_96 = arith.addi %mul3A_2, %add3A_95 : i32
    "tpu.region"() ({
      %run_scoped3A = tpu.sem_alloc : memref<!tpu.dma_semaphore, #tpu.memory_space<semaphore_mem>>
      %dma_start3A_97 = arith.constant 0 : i32
      %dma_start3A_98 = tpu.memref_slice %arg4[%add3A_96, %dma_start3A_97] : memref<81920x128xf32, #tpu.memory_space<hbm>> -> memref<320x128xf32, #tpu.memory_space<hbm>>
      %dma_start3A_99 = arith.constant 0 : i32
      %dma_start3A_100 = tpu.memref_slice %arg4[%add3A_96, %dma_start3A_99] : memref<81920x128xf32, #tpu.memory_space<hbm>> -> memref<320x128xf32, #tpu.memory_space<hbm>>
      tpu.enqueue_dma source(%arg7 : memref<320x128xf32, #tpu.memory_space<vmem>>) target(%dma_start3A_100 : memref<320x128xf32, #tpu.memory_space<hbm>>) target_semaphore(%run_scoped3A : memref<!tpu.dma_semaphore, #tpu.memory_space<semaphore_mem>>)
      %dma_wait3A_101 = arith.constant 0 : i32
      %dma_wait3A_102 = tpu.memref_slice %arg4[%add3A_96, %dma_wait3A_101] : memref<81920x128xf32, #tpu.memory_space<hbm>> -> memref<320x128xf32, #tpu.memory_space<hbm>>
      %dma_wait3A_103 = arith.constant 0 : i32
      %dma_wait3A_104 = tpu.memref_slice %arg4[%add3A_96, %dma_wait3A_103] : memref<81920x128xf32, #tpu.memory_space<hbm>> -> memref<320x128xf32, #tpu.memory_space<hbm>>
      tpu.wait_dma2 semaphore(%run_scoped3A : memref<!tpu.dma_semaphore, #tpu.memory_space<semaphore_mem>>) src(%arg7 : memref<320x128xf32, #tpu.memory_space<vmem>>) dst(%dma_wait3A_104 : memref<320x128xf32, #tpu.memory_space<hbm>>)
      tpu.yield
    }) : () -> ()
    return
  }
}

module attributes {stable_mosaic.version = 14 : i64} {
  func.func @_knn_body(%arg0: i32, %arg1: i32, %arg2: memref<1x512x16xf32, #tpu.memory_space<vmem>>, %arg3: memref<1x16x2048xf32, #tpu.memory_space<vmem>>, %arg4: memref<1x512x20xi32, #tpu.memory_space<vmem>>) attributes {dimension_semantics = [#tpu.dimension_semantics<arbitrary>, #tpu.dimension_semantics<arbitrary>], iteration_bounds = array<i64: 2, 4>, scalar_prefetch = 0 : i64, scratch_operands = 0 : i64, tpu.core_type = #tpu.core_type<tc>, window_params = [{transform_indices = @transform_0, window_bounds = array<i64: 1, 512, 16>}, {transform_indices = @transform_1, window_bounds = array<i64: 1, 16, 2048>}, {transform_indices = @transform_2, window_bounds = array<i64: 1, 512, 20>}]} {
    %get3A = arith.constant 0 : index
    %get3A_0 = arith.constant 0 : index
    %get3A_1 = arith.constant 0 : index
    %get3A_2 = vector.load %arg2[%get3A, %get3A_0, %get3A_1] : memref<1x512x16xf32, #tpu.memory_space<vmem>>, vector<1x512x16xf32>
    %get3A_3 = vector.shape_cast %get3A_2 : vector<1x512x16xf32> to vector<512x16xf32>
    %get3A_4 = arith.constant 0 : index
    %get3A_5 = arith.constant 0 : index
    %get3A_6 = arith.constant 0 : index
    %get3A_7 = vector.load %arg3[%get3A_4, %get3A_5, %get3A_6] : memref<1x16x2048xf32, #tpu.memory_space<vmem>>, vector<1x16x2048xf32>
    %get3A_8 = vector.shape_cast %get3A_7 : vector<1x16x2048xf32> to vector<16x2048xf32>
    %mul3A = arith.mulf %get3A_3, %get3A_3 : vector<512x16xf32>
    %reduce_sum3A = arith.constant dense<0.000000e+00> : vector<512xf32>
    %reduce_sum3A_9 = vector.multi_reduction <add>, %mul3A, %reduce_sum3A [1] : vector<512x16xf32> to vector<512xf32>
    %broadcast_in_dim3A = vector.shape_cast %reduce_sum3A_9 : vector<512xf32> to vector<512x1xf32>
    %mul3A_10 = arith.mulf %get3A_8, %get3A_8 : vector<16x2048xf32>
    %reduce_sum3A_11 = arith.constant dense<0.000000e+00> : vector<2048xf32>
    %reduce_sum3A_12 = vector.multi_reduction <add>, %mul3A_10, %reduce_sum3A_11 [0] : vector<16x2048xf32> to vector<2048xf32>
    %broadcast_in_dim3A_13 = vector.shape_cast %reduce_sum3A_12 : vector<2048xf32> to vector<1x2048xf32>
    %convert_element_type3A = arith.truncf %get3A_3 : vector<512x16xf32> to vector<512x16xbf16>
    %convert_element_type3A_14 = arith.truncf %get3A_8 : vector<16x2048xf32> to vector<16x2048xbf16>
    %dot_general3A = arith.constant dense<0.000000e+00> : vector<512x2048xf32>
    %dot_general3A_15 = tpu.matmul %convert_element_type3A, %convert_element_type3A_14, %dot_general3A {dimension_numbers = #tpu.dot_dimension_numbers<[1], [0], [0], [1], [0, 0, 1, 1], [], []>, transpose_lhs_hint = false} : vector<512x16xbf16>, vector<16x2048xbf16>, vector<512x2048xf32> -> vector<512x2048xf32>
    %add3A = vector.broadcast %broadcast_in_dim3A : vector<512x1xf32> to vector<512x2048xf32>
    %add3A_16 = vector.broadcast %broadcast_in_dim3A_13 : vector<1x2048xf32> to vector<512x2048xf32>
    %add3A_17 = arith.addf %add3A, %add3A_16 : vector<512x2048xf32>
    %mul3A_18 = arith.constant 2.000000e+00 : f32
    %mul3A_19 = vector.broadcast %mul3A_18 : f32 to vector<512x2048xf32>
    %mul3A_20 = arith.mulf %mul3A_19, %dot_general3A_15 : vector<512x2048xf32>
    %sub3A = arith.subf %add3A_17, %mul3A_20 : vector<512x2048xf32>
    %max3A = arith.constant 9.99999996E-13 : f32
    %max3A_21 = vector.broadcast %max3A : f32 to vector<512x2048xf32>
    %max3A_22 = arith.maximumf %sub3A, %max3A_21 : vector<512x2048xf32>
    %iota3A = tpu.iota {dimensions = array<i32: 1>} : vector<512x2048xi32>
    %reduce_min3A = arith.constant dense<0x7F800000> : vector<512xf32>
    %reduce_min3A_23 = vector.multi_reduction <minimumf>, %max3A_22, %reduce_min3A [1] : vector<512x2048xf32> to vector<512xf32>
    %broadcast_in_dim3A_24 = vector.shape_cast %reduce_min3A_23 : vector<512xf32> to vector<512x1xf32>
    %eq3A = vector.broadcast %broadcast_in_dim3A_24 : vector<512x1xf32> to vector<512x2048xf32>
    %eq3A_25 = arith.cmpf oeq, %max3A_22, %eq3A : vector<512x2048xf32>
    %jit3A = arith.constant 2048 : i32
    %broadcast_in_dim3A_26 = vector.broadcast %jit3A : i32 to vector<512x2048xi32>
    %select_n3A = arith.select %eq3A_25, %iota3A, %broadcast_in_dim3A_26 : vector<512x2048xi1>, vector<512x2048xi32>
    %reduce_min3A_27 = arith.constant dense<2147483647> : vector<512xi32>
    %reduce_min3A_28 = vector.multi_reduction <minsi>, %select_n3A, %reduce_min3A_27 [1] : vector<512x2048xi32> to vector<512xi32>
    %broadcast_in_dim3A_29 = vector.shape_cast %reduce_min3A_28 : vector<512xi32> to vector<512x1xi32>
    %eq3A_30 = vector.broadcast %broadcast_in_dim3A_29 : vector<512x1xi32> to vector<512x2048xi32>
    %eq3A_31 = arith.cmpi eq, %iota3A, %eq3A_30 : vector<512x2048xi32>
    %jit3A_32 = arith.constant 0x7F800000 : f32
    %broadcast_in_dim3A_33 = vector.broadcast %jit3A_32 : f32 to vector<512x2048xf32>
    %select_n3A_34 = arith.select %eq3A_31, %broadcast_in_dim3A_33, %max3A_22 : vector<512x2048xi1>, vector<512x2048xf32>
    %reduce_min3A_35 = arith.constant dense<0x7F800000> : vector<512xf32>
    %reduce_min3A_36 = vector.multi_reduction <minimumf>, %select_n3A_34, %reduce_min3A_35 [1] : vector<512x2048xf32> to vector<512xf32>
    %broadcast_in_dim3A_37 = vector.shape_cast %reduce_min3A_36 : vector<512xf32> to vector<512x1xf32>
    %eq3A_38 = vector.broadcast %broadcast_in_dim3A_37 : vector<512x1xf32> to vector<512x2048xf32>
    %eq3A_39 = arith.cmpf oeq, %select_n3A_34, %eq3A_38 : vector<512x2048xf32>
    %jit3A_40 = arith.constant 2048 : i32
    %broadcast_in_dim3A_41 = vector.broadcast %jit3A_40 : i32 to vector<512x2048xi32>
    %select_n3A_42 = arith.select %eq3A_39, %iota3A, %broadcast_in_dim3A_41 : vector<512x2048xi1>, vector<512x2048xi32>
    %reduce_min3A_43 = arith.constant dense<2147483647> : vector<512xi32>
    %reduce_min3A_44 = vector.multi_reduction <minsi>, %select_n3A_42, %reduce_min3A_43 [1] : vector<512x2048xi32> to vector<512xi32>
    %broadcast_in_dim3A_45 = vector.shape_cast %reduce_min3A_44 : vector<512xi32> to vector<512x1xi32>
    %eq3A_46 = vector.broadcast %broadcast_in_dim3A_45 : vector<512x1xi32> to vector<512x2048xi32>
    %eq3A_47 = arith.cmpi eq, %iota3A, %eq3A_46 : vector<512x2048xi32>
    %jit3A_48 = arith.constant 0x7F800000 : f32
    %broadcast_in_dim3A_49 = vector.broadcast %jit3A_48 : f32 to vector<512x2048xf32>
    %select_n3A_50 = arith.select %eq3A_47, %broadcast_in_dim3A_49, %select_n3A_34 : vector<512x2048xi1>, vector<512x2048xf32>
    %reduce_min3A_51 = arith.constant dense<0x7F800000> : vector<512xf32>
    %reduce_min3A_52 = vector.multi_reduction <minimumf>, %select_n3A_50, %reduce_min3A_51 [1] : vector<512x2048xf32> to vector<512xf32>
    %broadcast_in_dim3A_53 = vector.shape_cast %reduce_min3A_52 : vector<512xf32> to vector<512x1xf32>
    %eq3A_54 = vector.broadcast %broadcast_in_dim3A_53 : vector<512x1xf32> to vector<512x2048xf32>
    %eq3A_55 = arith.cmpf oeq, %select_n3A_50, %eq3A_54 : vector<512x2048xf32>
    %jit3A_56 = arith.constant 2048 : i32
    %broadcast_in_dim3A_57 = vector.broadcast %jit3A_56 : i32 to vector<512x2048xi32>
    %select_n3A_58 = arith.select %eq3A_55, %iota3A, %broadcast_in_dim3A_57 : vector<512x2048xi1>, vector<512x2048xi32>
    %reduce_min3A_59 = arith.constant dense<2147483647> : vector<512xi32>
    %reduce_min3A_60 = vector.multi_reduction <minsi>, %select_n3A_58, %reduce_min3A_59 [1] : vector<512x2048xi32> to vector<512xi32>
    %broadcast_in_dim3A_61 = vector.shape_cast %reduce_min3A_60 : vector<512xi32> to vector<512x1xi32>
    %eq3A_62 = vector.broadcast %broadcast_in_dim3A_61 : vector<512x1xi32> to vector<512x2048xi32>
    %eq3A_63 = arith.cmpi eq, %iota3A, %eq3A_62 : vector<512x2048xi32>
    %jit3A_64 = arith.constant 0x7F800000 : f32
    %broadcast_in_dim3A_65 = vector.broadcast %jit3A_64 : f32 to vector<512x2048xf32>
    %select_n3A_66 = arith.select %eq3A_63, %broadcast_in_dim3A_65, %select_n3A_50 : vector<512x2048xi1>, vector<512x2048xf32>
    %reduce_min3A_67 = arith.constant dense<0x7F800000> : vector<512xf32>
    %reduce_min3A_68 = vector.multi_reduction <minimumf>, %select_n3A_66, %reduce_min3A_67 [1] : vector<512x2048xf32> to vector<512xf32>
    %broadcast_in_dim3A_69 = vector.shape_cast %reduce_min3A_68 : vector<512xf32> to vector<512x1xf32>
    %eq3A_70 = vector.broadcast %broadcast_in_dim3A_69 : vector<512x1xf32> to vector<512x2048xf32>
    %eq3A_71 = arith.cmpf oeq, %select_n3A_66, %eq3A_70 : vector<512x2048xf32>
    %jit3A_72 = arith.constant 2048 : i32
    %broadcast_in_dim3A_73 = vector.broadcast %jit3A_72 : i32 to vector<512x2048xi32>
    %select_n3A_74 = arith.select %eq3A_71, %iota3A, %broadcast_in_dim3A_73 : vector<512x2048xi1>, vector<512x2048xi32>
    %reduce_min3A_75 = arith.constant dense<2147483647> : vector<512xi32>
    %reduce_min3A_76 = vector.multi_reduction <minsi>, %select_n3A_74, %reduce_min3A_75 [1] : vector<512x2048xi32> to vector<512xi32>
    %broadcast_in_dim3A_77 = vector.shape_cast %reduce_min3A_76 : vector<512xi32> to vector<512x1xi32>
    %eq3A_78 = vector.broadcast %broadcast_in_dim3A_77 : vector<512x1xi32> to vector<512x2048xi32>
    %eq3A_79 = arith.cmpi eq, %iota3A, %eq3A_78 : vector<512x2048xi32>
    %jit3A_80 = arith.constant 0x7F800000 : f32
    %broadcast_in_dim3A_81 = vector.broadcast %jit3A_80 : f32 to vector<512x2048xf32>
    %select_n3A_82 = arith.select %eq3A_79, %broadcast_in_dim3A_81, %select_n3A_66 : vector<512x2048xi1>, vector<512x2048xf32>
    %reduce_min3A_83 = arith.constant dense<0x7F800000> : vector<512xf32>
    %reduce_min3A_84 = vector.multi_reduction <minimumf>, %select_n3A_82, %reduce_min3A_83 [1] : vector<512x2048xf32> to vector<512xf32>
    %broadcast_in_dim3A_85 = vector.shape_cast %reduce_min3A_84 : vector<512xf32> to vector<512x1xf32>
    %eq3A_86 = vector.broadcast %broadcast_in_dim3A_85 : vector<512x1xf32> to vector<512x2048xf32>
    %eq3A_87 = arith.cmpf oeq, %select_n3A_82, %eq3A_86 : vector<512x2048xf32>
    %jit3A_88 = arith.constant 2048 : i32
    %broadcast_in_dim3A_89 = vector.broadcast %jit3A_88 : i32 to vector<512x2048xi32>
    %select_n3A_90 = arith.select %eq3A_87, %iota3A, %broadcast_in_dim3A_89 : vector<512x2048xi1>, vector<512x2048xi32>
    %reduce_min3A_91 = arith.constant dense<2147483647> : vector<512xi32>
    %reduce_min3A_92 = vector.multi_reduction <minsi>, %select_n3A_90, %reduce_min3A_91 [1] : vector<512x2048xi32> to vector<512xi32>
    %broadcast_in_dim3A_93 = vector.shape_cast %reduce_min3A_92 : vector<512xi32> to vector<512x1xi32>
    %eq3A_94 = vector.broadcast %broadcast_in_dim3A_93 : vector<512x1xi32> to vector<512x2048xi32>
    %eq3A_95 = arith.cmpi eq, %iota3A, %eq3A_94 : vector<512x2048xi32>
    %jit3A_96 = arith.constant 0x7F800000 : f32
    %broadcast_in_dim3A_97 = vector.broadcast %jit3A_96 : f32 to vector<512x2048xf32>
    %select_n3A_98 = arith.select %eq3A_95, %broadcast_in_dim3A_97, %select_n3A_82 : vector<512x2048xi1>, vector<512x2048xf32>
    %reduce_min3A_99 = arith.constant dense<0x7F800000> : vector<512xf32>
    %reduce_min3A_100 = vector.multi_reduction <minimumf>, %select_n3A_98, %reduce_min3A_99 [1] : vector<512x2048xf32> to vector<512xf32>
    %broadcast_in_dim3A_101 = vector.shape_cast %reduce_min3A_100 : vector<512xf32> to vector<512x1xf32>
    %eq3A_102 = vector.broadcast %broadcast_in_dim3A_101 : vector<512x1xf32> to vector<512x2048xf32>
    %eq3A_103 = arith.cmpf oeq, %select_n3A_98, %eq3A_102 : vector<512x2048xf32>
    %jit3A_104 = arith.constant 2048 : i32
    %broadcast_in_dim3A_105 = vector.broadcast %jit3A_104 : i32 to vector<512x2048xi32>
    %select_n3A_106 = arith.select %eq3A_103, %iota3A, %broadcast_in_dim3A_105 : vector<512x2048xi1>, vector<512x2048xi32>
    %reduce_min3A_107 = arith.constant dense<2147483647> : vector<512xi32>
    %reduce_min3A_108 = vector.multi_reduction <minsi>, %select_n3A_106, %reduce_min3A_107 [1] : vector<512x2048xi32> to vector<512xi32>
    %broadcast_in_dim3A_109 = vector.shape_cast %reduce_min3A_108 : vector<512xi32> to vector<512x1xi32>
    %eq3A_110 = vector.broadcast %broadcast_in_dim3A_109 : vector<512x1xi32> to vector<512x2048xi32>
    %eq3A_111 = arith.cmpi eq, %iota3A, %eq3A_110 : vector<512x2048xi32>
    %jit3A_112 = arith.constant 0x7F800000 : f32
    %broadcast_in_dim3A_113 = vector.broadcast %jit3A_112 : f32 to vector<512x2048xf32>
    %select_n3A_114 = arith.select %eq3A_111, %broadcast_in_dim3A_113, %select_n3A_98 : vector<512x2048xi1>, vector<512x2048xf32>
    %reduce_min3A_115 = arith.constant dense<0x7F800000> : vector<512xf32>
    %reduce_min3A_116 = vector.multi_reduction <minimumf>, %select_n3A_114, %reduce_min3A_115 [1] : vector<512x2048xf32> to vector<512xf32>
    %broadcast_in_dim3A_117 = vector.shape_cast %reduce_min3A_116 : vector<512xf32> to vector<512x1xf32>
    %eq3A_118 = vector.broadcast %broadcast_in_dim3A_117 : vector<512x1xf32> to vector<512x2048xf32>
    %eq3A_119 = arith.cmpf oeq, %select_n3A_114, %eq3A_118 : vector<512x2048xf32>
    %jit3A_120 = arith.constant 2048 : i32
    %broadcast_in_dim3A_121 = vector.broadcast %jit3A_120 : i32 to vector<512x2048xi32>
    %select_n3A_122 = arith.select %eq3A_119, %iota3A, %broadcast_in_dim3A_121 : vector<512x2048xi1>, vector<512x2048xi32>
    %reduce_min3A_123 = arith.constant dense<2147483647> : vector<512xi32>
    %reduce_min3A_124 = vector.multi_reduction <minsi>, %select_n3A_122, %reduce_min3A_123 [1] : vector<512x2048xi32> to vector<512xi32>
    %broadcast_in_dim3A_125 = vector.shape_cast %reduce_min3A_124 : vector<512xi32> to vector<512x1xi32>
    %eq3A_126 = vector.broadcast %broadcast_in_dim3A_125 : vector<512x1xi32> to vector<512x2048xi32>
    %eq3A_127 = arith.cmpi eq, %iota3A, %eq3A_126 : vector<512x2048xi32>
    %jit3A_128 = arith.constant 0x7F800000 : f32
    %broadcast_in_dim3A_129 = vector.broadcast %jit3A_128 : f32 to vector<512x2048xf32>
    %select_n3A_130 = arith.select %eq3A_127, %broadcast_in_dim3A_129, %select_n3A_114 : vector<512x2048xi1>, vector<512x2048xf32>
    %reduce_min3A_131 = arith.constant dense<0x7F800000> : vector<512xf32>
    %reduce_min3A_132 = vector.multi_reduction <minimumf>, %select_n3A_130, %reduce_min3A_131 [1] : vector<512x2048xf32> to vector<512xf32>
    %broadcast_in_dim3A_133 = vector.shape_cast %reduce_min3A_132 : vector<512xf32> to vector<512x1xf32>
    %eq3A_134 = vector.broadcast %broadcast_in_dim3A_133 : vector<512x1xf32> to vector<512x2048xf32>
    %eq3A_135 = arith.cmpf oeq, %select_n3A_130, %eq3A_134 : vector<512x2048xf32>
    %jit3A_136 = arith.constant 2048 : i32
    %broadcast_in_dim3A_137 = vector.broadcast %jit3A_136 : i32 to vector<512x2048xi32>
    %select_n3A_138 = arith.select %eq3A_135, %iota3A, %broadcast_in_dim3A_137 : vector<512x2048xi1>, vector<512x2048xi32>
    %reduce_min3A_139 = arith.constant dense<2147483647> : vector<512xi32>
    %reduce_min3A_140 = vector.multi_reduction <minsi>, %select_n3A_138, %reduce_min3A_139 [1] : vector<512x2048xi32> to vector<512xi32>
    %broadcast_in_dim3A_141 = vector.shape_cast %reduce_min3A_140 : vector<512xi32> to vector<512x1xi32>
    %eq3A_142 = vector.broadcast %broadcast_in_dim3A_141 : vector<512x1xi32> to vector<512x2048xi32>
    %eq3A_143 = arith.cmpi eq, %iota3A, %eq3A_142 : vector<512x2048xi32>
    %jit3A_144 = arith.constant 0x7F800000 : f32
    %broadcast_in_dim3A_145 = vector.broadcast %jit3A_144 : f32 to vector<512x2048xf32>
    %select_n3A_146 = arith.select %eq3A_143, %broadcast_in_dim3A_145, %select_n3A_130 : vector<512x2048xi1>, vector<512x2048xf32>
    %reduce_min3A_147 = arith.constant dense<0x7F800000> : vector<512xf32>
    %reduce_min3A_148 = vector.multi_reduction <minimumf>, %select_n3A_146, %reduce_min3A_147 [1] : vector<512x2048xf32> to vector<512xf32>
    %broadcast_in_dim3A_149 = vector.shape_cast %reduce_min3A_148 : vector<512xf32> to vector<512x1xf32>
    %eq3A_150 = vector.broadcast %broadcast_in_dim3A_149 : vector<512x1xf32> to vector<512x2048xf32>
    %eq3A_151 = arith.cmpf oeq, %select_n3A_146, %eq3A_150 : vector<512x2048xf32>
    %jit3A_152 = arith.constant 2048 : i32
    %broadcast_in_dim3A_153 = vector.broadcast %jit3A_152 : i32 to vector<512x2048xi32>
    %select_n3A_154 = arith.select %eq3A_151, %iota3A, %broadcast_in_dim3A_153 : vector<512x2048xi1>, vector<512x2048xi32>
    %reduce_min3A_155 = arith.constant dense<2147483647> : vector<512xi32>
    %reduce_min3A_156 = vector.multi_reduction <minsi>, %select_n3A_154, %reduce_min3A_155 [1] : vector<512x2048xi32> to vector<512xi32>
    %broadcast_in_dim3A_157 = vector.shape_cast %reduce_min3A_156 : vector<512xi32> to vector<512x1xi32>
    %eq3A_158 = vector.broadcast %broadcast_in_dim3A_157 : vector<512x1xi32> to vector<512x2048xi32>
    %eq3A_159 = arith.cmpi eq, %iota3A, %eq3A_158 : vector<512x2048xi32>
    %jit3A_160 = arith.constant 0x7F800000 : f32
    %broadcast_in_dim3A_161 = vector.broadcast %jit3A_160 : f32 to vector<512x2048xf32>
    %select_n3A_162 = arith.select %eq3A_159, %broadcast_in_dim3A_161, %select_n3A_146 : vector<512x2048xi1>, vector<512x2048xf32>
    %reduce_min3A_163 = arith.constant dense<0x7F800000> : vector<512xf32>
    %reduce_min3A_164 = vector.multi_reduction <minimumf>, %select_n3A_162, %reduce_min3A_163 [1] : vector<512x2048xf32> to vector<512xf32>
    %broadcast_in_dim3A_165 = vector.shape_cast %reduce_min3A_164 : vector<512xf32> to vector<512x1xf32>
    %eq3A_166 = vector.broadcast %broadcast_in_dim3A_165 : vector<512x1xf32> to vector<512x2048xf32>
    %eq3A_167 = arith.cmpf oeq, %select_n3A_162, %eq3A_166 : vector<512x2048xf32>
    %jit3A_168 = arith.constant 2048 : i32
    %broadcast_in_dim3A_169 = vector.broadcast %jit3A_168 : i32 to vector<512x2048xi32>
    %select_n3A_170 = arith.select %eq3A_167, %iota3A, %broadcast_in_dim3A_169 : vector<512x2048xi1>, vector<512x2048xi32>
    %reduce_min3A_171 = arith.constant dense<2147483647> : vector<512xi32>
    %reduce_min3A_172 = vector.multi_reduction <minsi>, %select_n3A_170, %reduce_min3A_171 [1] : vector<512x2048xi32> to vector<512xi32>
    %broadcast_in_dim3A_173 = vector.shape_cast %reduce_min3A_172 : vector<512xi32> to vector<512x1xi32>
    %eq3A_174 = vector.broadcast %broadcast_in_dim3A_173 : vector<512x1xi32> to vector<512x2048xi32>
    %eq3A_175 = arith.cmpi eq, %iota3A, %eq3A_174 : vector<512x2048xi32>
    %jit3A_176 = arith.constant 0x7F800000 : f32
    %broadcast_in_dim3A_177 = vector.broadcast %jit3A_176 : f32 to vector<512x2048xf32>
    %select_n3A_178 = arith.select %eq3A_175, %broadcast_in_dim3A_177, %select_n3A_162 : vector<512x2048xi1>, vector<512x2048xf32>
    %reduce_min3A_179 = arith.constant dense<0x7F800000> : vector<512xf32>
    %reduce_min3A_180 = vector.multi_reduction <minimumf>, %select_n3A_178, %reduce_min3A_179 [1] : vector<512x2048xf32> to vector<512xf32>
    %broadcast_in_dim3A_181 = vector.shape_cast %reduce_min3A_180 : vector<512xf32> to vector<512x1xf32>
    %eq3A_182 = vector.broadcast %broadcast_in_dim3A_181 : vector<512x1xf32> to vector<512x2048xf32>
    %eq3A_183 = arith.cmpf oeq, %select_n3A_178, %eq3A_182 : vector<512x2048xf32>
    %jit3A_184 = arith.constant 2048 : i32
    %broadcast_in_dim3A_185 = vector.broadcast %jit3A_184 : i32 to vector<512x2048xi32>
    %select_n3A_186 = arith.select %eq3A_183, %iota3A, %broadcast_in_dim3A_185 : vector<512x2048xi1>, vector<512x2048xi32>
    %reduce_min3A_187 = arith.constant dense<2147483647> : vector<512xi32>
    %reduce_min3A_188 = vector.multi_reduction <minsi>, %select_n3A_186, %reduce_min3A_187 [1] : vector<512x2048xi32> to vector<512xi32>
    %broadcast_in_dim3A_189 = vector.shape_cast %reduce_min3A_188 : vector<512xi32> to vector<512x1xi32>
    %eq3A_190 = vector.broadcast %broadcast_in_dim3A_189 : vector<512x1xi32> to vector<512x2048xi32>
    %eq3A_191 = arith.cmpi eq, %iota3A, %eq3A_190 : vector<512x2048xi32>
    %jit3A_192 = arith.constant 0x7F800000 : f32
    %broadcast_in_dim3A_193 = vector.broadcast %jit3A_192 : f32 to vector<512x2048xf32>
    %select_n3A_194 = arith.select %eq3A_191, %broadcast_in_dim3A_193, %select_n3A_178 : vector<512x2048xi1>, vector<512x2048xf32>
    %reduce_min3A_195 = arith.constant dense<0x7F800000> : vector<512xf32>
    %reduce_min3A_196 = vector.multi_reduction <minimumf>, %select_n3A_194, %reduce_min3A_195 [1] : vector<512x2048xf32> to vector<512xf32>
    %broadcast_in_dim3A_197 = vector.shape_cast %reduce_min3A_196 : vector<512xf32> to vector<512x1xf32>
    %eq3A_198 = vector.broadcast %broadcast_in_dim3A_197 : vector<512x1xf32> to vector<512x2048xf32>
    %eq3A_199 = arith.cmpf oeq, %select_n3A_194, %eq3A_198 : vector<512x2048xf32>
    %jit3A_200 = arith.constant 2048 : i32
    %broadcast_in_dim3A_201 = vector.broadcast %jit3A_200 : i32 to vector<512x2048xi32>
    %select_n3A_202 = arith.select %eq3A_199, %iota3A, %broadcast_in_dim3A_201 : vector<512x2048xi1>, vector<512x2048xi32>
    %reduce_min3A_203 = arith.constant dense<2147483647> : vector<512xi32>
    %reduce_min3A_204 = vector.multi_reduction <minsi>, %select_n3A_202, %reduce_min3A_203 [1] : vector<512x2048xi32> to vector<512xi32>
    %broadcast_in_dim3A_205 = vector.shape_cast %reduce_min3A_204 : vector<512xi32> to vector<512x1xi32>
    %eq3A_206 = vector.broadcast %broadcast_in_dim3A_205 : vector<512x1xi32> to vector<512x2048xi32>
    %eq3A_207 = arith.cmpi eq, %iota3A, %eq3A_206 : vector<512x2048xi32>
    %jit3A_208 = arith.constant 0x7F800000 : f32
    %broadcast_in_dim3A_209 = vector.broadcast %jit3A_208 : f32 to vector<512x2048xf32>
    %select_n3A_210 = arith.select %eq3A_207, %broadcast_in_dim3A_209, %select_n3A_194 : vector<512x2048xi1>, vector<512x2048xf32>
    %reduce_min3A_211 = arith.constant dense<0x7F800000> : vector<512xf32>
    %reduce_min3A_212 = vector.multi_reduction <minimumf>, %select_n3A_210, %reduce_min3A_211 [1] : vector<512x2048xf32> to vector<512xf32>
    %broadcast_in_dim3A_213 = vector.shape_cast %reduce_min3A_212 : vector<512xf32> to vector<512x1xf32>
    %eq3A_214 = vector.broadcast %broadcast_in_dim3A_213 : vector<512x1xf32> to vector<512x2048xf32>
    %eq3A_215 = arith.cmpf oeq, %select_n3A_210, %eq3A_214 : vector<512x2048xf32>
    %jit3A_216 = arith.constant 2048 : i32
    %broadcast_in_dim3A_217 = vector.broadcast %jit3A_216 : i32 to vector<512x2048xi32>
    %select_n3A_218 = arith.select %eq3A_215, %iota3A, %broadcast_in_dim3A_217 : vector<512x2048xi1>, vector<512x2048xi32>
    %reduce_min3A_219 = arith.constant dense<2147483647> : vector<512xi32>
    %reduce_min3A_220 = vector.multi_reduction <minsi>, %select_n3A_218, %reduce_min3A_219 [1] : vector<512x2048xi32> to vector<512xi32>
    %broadcast_in_dim3A_221 = vector.shape_cast %reduce_min3A_220 : vector<512xi32> to vector<512x1xi32>
    %eq3A_222 = vector.broadcast %broadcast_in_dim3A_221 : vector<512x1xi32> to vector<512x2048xi32>
    %eq3A_223 = arith.cmpi eq, %iota3A, %eq3A_222 : vector<512x2048xi32>
    %jit3A_224 = arith.constant 0x7F800000 : f32
    %broadcast_in_dim3A_225 = vector.broadcast %jit3A_224 : f32 to vector<512x2048xf32>
    %select_n3A_226 = arith.select %eq3A_223, %broadcast_in_dim3A_225, %select_n3A_210 : vector<512x2048xi1>, vector<512x2048xf32>
    %reduce_min3A_227 = arith.constant dense<0x7F800000> : vector<512xf32>
    %reduce_min3A_228 = vector.multi_reduction <minimumf>, %select_n3A_226, %reduce_min3A_227 [1] : vector<512x2048xf32> to vector<512xf32>
    %broadcast_in_dim3A_229 = vector.shape_cast %reduce_min3A_228 : vector<512xf32> to vector<512x1xf32>
    %eq3A_230 = vector.broadcast %broadcast_in_dim3A_229 : vector<512x1xf32> to vector<512x2048xf32>
    %eq3A_231 = arith.cmpf oeq, %select_n3A_226, %eq3A_230 : vector<512x2048xf32>
    %jit3A_232 = arith.constant 2048 : i32
    %broadcast_in_dim3A_233 = vector.broadcast %jit3A_232 : i32 to vector<512x2048xi32>
    %select_n3A_234 = arith.select %eq3A_231, %iota3A, %broadcast_in_dim3A_233 : vector<512x2048xi1>, vector<512x2048xi32>
    %reduce_min3A_235 = arith.constant dense<2147483647> : vector<512xi32>
    %reduce_min3A_236 = vector.multi_reduction <minsi>, %select_n3A_234, %reduce_min3A_235 [1] : vector<512x2048xi32> to vector<512xi32>
    %broadcast_in_dim3A_237 = vector.shape_cast %reduce_min3A_236 : vector<512xi32> to vector<512x1xi32>
    %eq3A_238 = vector.broadcast %broadcast_in_dim3A_237 : vector<512x1xi32> to vector<512x2048xi32>
    %eq3A_239 = arith.cmpi eq, %iota3A, %eq3A_238 : vector<512x2048xi32>
    %jit3A_240 = arith.constant 0x7F800000 : f32
    %broadcast_in_dim3A_241 = vector.broadcast %jit3A_240 : f32 to vector<512x2048xf32>
    %select_n3A_242 = arith.select %eq3A_239, %broadcast_in_dim3A_241, %select_n3A_226 : vector<512x2048xi1>, vector<512x2048xf32>
    %reduce_min3A_243 = arith.constant dense<0x7F800000> : vector<512xf32>
    %reduce_min3A_244 = vector.multi_reduction <minimumf>, %select_n3A_242, %reduce_min3A_243 [1] : vector<512x2048xf32> to vector<512xf32>
    %broadcast_in_dim3A_245 = vector.shape_cast %reduce_min3A_244 : vector<512xf32> to vector<512x1xf32>
    %eq3A_246 = vector.broadcast %broadcast_in_dim3A_245 : vector<512x1xf32> to vector<512x2048xf32>
    %eq3A_247 = arith.cmpf oeq, %select_n3A_242, %eq3A_246 : vector<512x2048xf32>
    %jit3A_248 = arith.constant 2048 : i32
    %broadcast_in_dim3A_249 = vector.broadcast %jit3A_248 : i32 to vector<512x2048xi32>
    %select_n3A_250 = arith.select %eq3A_247, %iota3A, %broadcast_in_dim3A_249 : vector<512x2048xi1>, vector<512x2048xi32>
    %reduce_min3A_251 = arith.constant dense<2147483647> : vector<512xi32>
    %reduce_min3A_252 = vector.multi_reduction <minsi>, %select_n3A_250, %reduce_min3A_251 [1] : vector<512x2048xi32> to vector<512xi32>
    %broadcast_in_dim3A_253 = vector.shape_cast %reduce_min3A_252 : vector<512xi32> to vector<512x1xi32>
    %eq3A_254 = vector.broadcast %broadcast_in_dim3A_253 : vector<512x1xi32> to vector<512x2048xi32>
    %eq3A_255 = arith.cmpi eq, %iota3A, %eq3A_254 : vector<512x2048xi32>
    %jit3A_256 = arith.constant 0x7F800000 : f32
    %broadcast_in_dim3A_257 = vector.broadcast %jit3A_256 : f32 to vector<512x2048xf32>
    %select_n3A_258 = arith.select %eq3A_255, %broadcast_in_dim3A_257, %select_n3A_242 : vector<512x2048xi1>, vector<512x2048xf32>
    %reduce_min3A_259 = arith.constant dense<0x7F800000> : vector<512xf32>
    %reduce_min3A_260 = vector.multi_reduction <minimumf>, %select_n3A_258, %reduce_min3A_259 [1] : vector<512x2048xf32> to vector<512xf32>
    %broadcast_in_dim3A_261 = vector.shape_cast %reduce_min3A_260 : vector<512xf32> to vector<512x1xf32>
    %eq3A_262 = vector.broadcast %broadcast_in_dim3A_261 : vector<512x1xf32> to vector<512x2048xf32>
    %eq3A_263 = arith.cmpf oeq, %select_n3A_258, %eq3A_262 : vector<512x2048xf32>
    %jit3A_264 = arith.constant 2048 : i32
    %broadcast_in_dim3A_265 = vector.broadcast %jit3A_264 : i32 to vector<512x2048xi32>
    %select_n3A_266 = arith.select %eq3A_263, %iota3A, %broadcast_in_dim3A_265 : vector<512x2048xi1>, vector<512x2048xi32>
    %reduce_min3A_267 = arith.constant dense<2147483647> : vector<512xi32>
    %reduce_min3A_268 = vector.multi_reduction <minsi>, %select_n3A_266, %reduce_min3A_267 [1] : vector<512x2048xi32> to vector<512xi32>
    %broadcast_in_dim3A_269 = vector.shape_cast %reduce_min3A_268 : vector<512xi32> to vector<512x1xi32>
    %eq3A_270 = vector.broadcast %broadcast_in_dim3A_269 : vector<512x1xi32> to vector<512x2048xi32>
    %eq3A_271 = arith.cmpi eq, %iota3A, %eq3A_270 : vector<512x2048xi32>
    %jit3A_272 = arith.constant 0x7F800000 : f32
    %broadcast_in_dim3A_273 = vector.broadcast %jit3A_272 : f32 to vector<512x2048xf32>
    %select_n3A_274 = arith.select %eq3A_271, %broadcast_in_dim3A_273, %select_n3A_258 : vector<512x2048xi1>, vector<512x2048xf32>
    %reduce_min3A_275 = arith.constant dense<0x7F800000> : vector<512xf32>
    %reduce_min3A_276 = vector.multi_reduction <minimumf>, %select_n3A_274, %reduce_min3A_275 [1] : vector<512x2048xf32> to vector<512xf32>
    %broadcast_in_dim3A_277 = vector.shape_cast %reduce_min3A_276 : vector<512xf32> to vector<512x1xf32>
    %eq3A_278 = vector.broadcast %broadcast_in_dim3A_277 : vector<512x1xf32> to vector<512x2048xf32>
    %eq3A_279 = arith.cmpf oeq, %select_n3A_274, %eq3A_278 : vector<512x2048xf32>
    %jit3A_280 = arith.constant 2048 : i32
    %broadcast_in_dim3A_281 = vector.broadcast %jit3A_280 : i32 to vector<512x2048xi32>
    %select_n3A_282 = arith.select %eq3A_279, %iota3A, %broadcast_in_dim3A_281 : vector<512x2048xi1>, vector<512x2048xi32>
    %reduce_min3A_283 = arith.constant dense<2147483647> : vector<512xi32>
    %reduce_min3A_284 = vector.multi_reduction <minsi>, %select_n3A_282, %reduce_min3A_283 [1] : vector<512x2048xi32> to vector<512xi32>
    %broadcast_in_dim3A_285 = vector.shape_cast %reduce_min3A_284 : vector<512xi32> to vector<512x1xi32>
    %eq3A_286 = vector.broadcast %broadcast_in_dim3A_285 : vector<512x1xi32> to vector<512x2048xi32>
    %eq3A_287 = arith.cmpi eq, %iota3A, %eq3A_286 : vector<512x2048xi32>
    %jit3A_288 = arith.constant 0x7F800000 : f32
    %broadcast_in_dim3A_289 = vector.broadcast %jit3A_288 : f32 to vector<512x2048xf32>
    %select_n3A_290 = arith.select %eq3A_287, %broadcast_in_dim3A_289, %select_n3A_274 : vector<512x2048xi1>, vector<512x2048xf32>
    %reduce_min3A_291 = arith.constant dense<0x7F800000> : vector<512xf32>
    %reduce_min3A_292 = vector.multi_reduction <minimumf>, %select_n3A_290, %reduce_min3A_291 [1] : vector<512x2048xf32> to vector<512xf32>
    %broadcast_in_dim3A_293 = vector.shape_cast %reduce_min3A_292 : vector<512xf32> to vector<512x1xf32>
    %eq3A_294 = vector.broadcast %broadcast_in_dim3A_293 : vector<512x1xf32> to vector<512x2048xf32>
    %eq3A_295 = arith.cmpf oeq, %select_n3A_290, %eq3A_294 : vector<512x2048xf32>
    %jit3A_296 = arith.constant 2048 : i32
    %broadcast_in_dim3A_297 = vector.broadcast %jit3A_296 : i32 to vector<512x2048xi32>
    %select_n3A_298 = arith.select %eq3A_295, %iota3A, %broadcast_in_dim3A_297 : vector<512x2048xi1>, vector<512x2048xi32>
    %reduce_min3A_299 = arith.constant dense<2147483647> : vector<512xi32>
    %reduce_min3A_300 = vector.multi_reduction <minsi>, %select_n3A_298, %reduce_min3A_299 [1] : vector<512x2048xi32> to vector<512xi32>
    %broadcast_in_dim3A_301 = vector.shape_cast %reduce_min3A_300 : vector<512xi32> to vector<512x1xi32>
    %eq3A_302 = vector.broadcast %broadcast_in_dim3A_301 : vector<512x1xi32> to vector<512x2048xi32>
    %eq3A_303 = arith.cmpi eq, %iota3A, %eq3A_302 : vector<512x2048xi32>
    %jit3A_304 = arith.constant 0x7F800000 : f32
    %broadcast_in_dim3A_305 = vector.broadcast %jit3A_304 : f32 to vector<512x2048xf32>
    %select_n3A_306 = arith.select %eq3A_303, %broadcast_in_dim3A_305, %select_n3A_290 : vector<512x2048xi1>, vector<512x2048xf32>
    %reduce_min3A_307 = arith.constant dense<0x7F800000> : vector<512xf32>
    %reduce_min3A_308 = vector.multi_reduction <minimumf>, %select_n3A_306, %reduce_min3A_307 [1] : vector<512x2048xf32> to vector<512xf32>
    %broadcast_in_dim3A_309 = vector.shape_cast %reduce_min3A_308 : vector<512xf32> to vector<512x1xf32>
    %eq3A_310 = vector.broadcast %broadcast_in_dim3A_309 : vector<512x1xf32> to vector<512x2048xf32>
    %eq3A_311 = arith.cmpf oeq, %select_n3A_306, %eq3A_310 : vector<512x2048xf32>
    %jit3A_312 = arith.constant 2048 : i32
    %broadcast_in_dim3A_313 = vector.broadcast %jit3A_312 : i32 to vector<512x2048xi32>
    %select_n3A_314 = arith.select %eq3A_311, %iota3A, %broadcast_in_dim3A_313 : vector<512x2048xi1>, vector<512x2048xi32>
    %reduce_min3A_315 = arith.constant dense<2147483647> : vector<512xi32>
    %reduce_min3A_316 = vector.multi_reduction <minsi>, %select_n3A_314, %reduce_min3A_315 [1] : vector<512x2048xi32> to vector<512xi32>
    %broadcast_in_dim3A_317 = vector.shape_cast %reduce_min3A_316 : vector<512xi32> to vector<512x1xi32>
    %eq3A_318 = vector.broadcast %broadcast_in_dim3A_317 : vector<512x1xi32> to vector<512x2048xi32>
    %eq3A_319 = arith.cmpi eq, %iota3A, %eq3A_318 : vector<512x2048xi32>
    %jit3A_320 = arith.constant 0x7F800000 : f32
    %broadcast_in_dim3A_321 = vector.broadcast %jit3A_320 : f32 to vector<512x2048xf32>
    %select_n3A_322 = arith.select %eq3A_319, %broadcast_in_dim3A_321, %select_n3A_306 : vector<512x2048xi1>, vector<512x2048xf32>
    %reduce_min3A_323 = arith.constant dense<0x7F800000> : vector<512xf32>
    %reduce_min3A_324 = vector.multi_reduction <minimumf>, %select_n3A_322, %reduce_min3A_323 [1] : vector<512x2048xf32> to vector<512xf32>
    %broadcast_in_dim3A_325 = vector.shape_cast %reduce_min3A_324 : vector<512xf32> to vector<512x1xf32>
    %eq3A_326 = vector.broadcast %broadcast_in_dim3A_325 : vector<512x1xf32> to vector<512x2048xf32>
    %eq3A_327 = arith.cmpf oeq, %select_n3A_322, %eq3A_326 : vector<512x2048xf32>
    %jit3A_328 = arith.constant 2048 : i32
    %broadcast_in_dim3A_329 = vector.broadcast %jit3A_328 : i32 to vector<512x2048xi32>
    %select_n3A_330 = arith.select %eq3A_327, %iota3A, %broadcast_in_dim3A_329 : vector<512x2048xi1>, vector<512x2048xi32>
    %reduce_min3A_331 = arith.constant dense<2147483647> : vector<512xi32>
    %reduce_min3A_332 = vector.multi_reduction <minsi>, %select_n3A_330, %reduce_min3A_331 [1] : vector<512x2048xi32> to vector<512xi32>
    %broadcast_in_dim3A_333 = vector.shape_cast %reduce_min3A_332 : vector<512xi32> to vector<512x1xi32>
    %concatenate3A = tpu.concatenate %broadcast_in_dim3A_29, %broadcast_in_dim3A_45, %broadcast_in_dim3A_61, %broadcast_in_dim3A_77, %broadcast_in_dim3A_93, %broadcast_in_dim3A_109, %broadcast_in_dim3A_125, %broadcast_in_dim3A_141, %broadcast_in_dim3A_157, %broadcast_in_dim3A_173, %broadcast_in_dim3A_189, %broadcast_in_dim3A_205, %broadcast_in_dim3A_221, %broadcast_in_dim3A_237, %broadcast_in_dim3A_253, %broadcast_in_dim3A_269, %broadcast_in_dim3A_285, %broadcast_in_dim3A_301, %broadcast_in_dim3A_317, %broadcast_in_dim3A_333 in 1 : vector<512x1xi32>, vector<512x1xi32>, vector<512x1xi32>, vector<512x1xi32>, vector<512x1xi32>, vector<512x1xi32>, vector<512x1xi32>, vector<512x1xi32>, vector<512x1xi32>, vector<512x1xi32>, vector<512x1xi32>, vector<512x1xi32>, vector<512x1xi32>, vector<512x1xi32>, vector<512x1xi32>, vector<512x1xi32>, vector<512x1xi32>, vector<512x1xi32>, vector<512x1xi32>, vector<512x1xi32> -> vector<512x20xi32>
    %mul3A_334 = arith.constant 2048 : i32
    %mul3A_335 = arith.muli %arg0, %mul3A_334 : i32
    %add3A_336 = vector.broadcast %mul3A_335 : i32 to vector<512x20xi32>
    %add3A_337 = arith.addi %concatenate3A, %add3A_336 : vector<512x20xi32>
    %swap3A = arith.constant 0 : index
    %swap3A_338 = arith.constant 0 : index
    %swap3A_339 = arith.constant 0 : index
    %swap3A_340 = vector.load %arg4[%swap3A, %swap3A_338, %swap3A_339] : memref<1x512x20xi32, #tpu.memory_space<vmem>>, vector<1x512x20xi32>
    %swap3A_341 = vector.shape_cast %swap3A_340 : vector<1x512x20xi32> to vector<512x20xi32>
    %swap3A_342 = vector.shape_cast %add3A_337 : vector<512x20xi32> to vector<1x512x20xi32>
    tpu.vector_store %arg4[%swap3A, %swap3A_338, %swap3A_339], %swap3A_342 {strides = array<i32>} : memref<1x512x20xi32, #tpu.memory_space<vmem>>, vector<1x512x20xi32>,
    return
  }
  func.func @transform_0(%arg0: i32, %arg1: i32) -> (i32, i32, i32) {
    %c0_i32 = arith.constant 0 : i32
    %c0_i32_0 = arith.constant 0 : i32
    return %arg0, %arg1, %c0_i32 : i32, i32, i32
  }
  func.func @transform_1(%arg0: i32, %arg1: i32) -> (i32, i32, i32) {
    %c0_i32 = arith.constant 0 : i32
    %c0_i32_0 = arith.constant 0 : i32
    %c0_i32_1 = arith.constant 0 : i32
    return %arg0, %c0_i32, %c0_i32_0 : i32, i32, i32
  }
  func.func @transform_2(%arg0: i32, %arg1: i32) -> (i32, i32, i32) {
    %c0_i32 = arith.constant 0 : i32
    %c0_i32_0 = arith.constant 0 : i32
    return %arg0, %arg1, %c0_i32 : i32, i32, i32
  }
}

module attributes {stable_mosaic.version = 14 : i64} {
  func.func @_prep_body(%arg0: memref<4096x64xf32, #tpu.memory_space<vmem>>, %arg1: memref<4096x16xf32, #tpu.memory_space<vmem>>, %arg2: memref<64x64xf32, #tpu.memory_space<vmem>>, %arg3: memref<16x64xf32, #tpu.memory_space<vmem>>, %arg4: memref<64x64xf32, #tpu.memory_space<vmem>>, %arg5: memref<4096x128xf32, #tpu.memory_space<vmem>>, %arg6: memref<4096x64xf32, #tpu.memory_space<vmem>>) attributes {dimension_semantics = [], scalar_prefetch = 0 : i64, scratch_operands = 0 : i64, tpu.core_type = #tpu.core_type<tc>} {
    %get3A = arith.constant 0 : index
    %get3A_0 = arith.constant 0 : index
    %get3A_1 = vector.load %arg0[%get3A, %get3A_0] : memref<4096x64xf32, #tpu.memory_space<vmem>>, vector<4096x64xf32>
    %get3A_2 = arith.constant 0 : index
    %get3A_3 = arith.constant 0 : index
    %get3A_4 = vector.load %arg1[%get3A_2, %get3A_3] : memref<4096x16xf32, #tpu.memory_space<vmem>>, vector<4096x16xf32>
    %get3A_5 = arith.constant 0 : index
    %get3A_6 = arith.constant 0 : index
    %get3A_7 = vector.load %arg2[%get3A_5, %get3A_6] : memref<64x64xf32, #tpu.memory_space<vmem>>, vector<64x64xf32>
    %dot_general3A = arith.constant dense<0.000000e+00> : vector<4096x64xf32>
    %dot_general3A_8 = tpu.matmul %get3A_1, %get3A_7, %dot_general3A {dimension_numbers = #tpu.dot_dimension_numbers<[1], [0], [0], [1], [0, 0, 1, 1], [], []>, precision = #tpu.contract_precision<fp32>, transpose_lhs_hint = false} : vector<4096x64xf32>, vector<64x64xf32>, vector<4096x64xf32> -> vector<4096x64xf32>
    %get3A_9 = arith.constant 0 : index
    %get3A_10 = arith.constant 0 : index
    %get3A_11 = vector.load %arg3[%get3A_9, %get3A_10] : memref<16x64xf32, #tpu.memory_space<vmem>>, vector<16x64xf32>
    %dot_general3A_12 = arith.constant dense<0.000000e+00> : vector<4096x64xf32>
    %dot_general3A_13 = tpu.matmul %get3A_4, %get3A_11, %dot_general3A_12 {dimension_numbers = #tpu.dot_dimension_numbers<[1], [0], [0], [1], [0, 0, 1, 1], [], []>, precision = #tpu.contract_precision<fp32>, transpose_lhs_hint = false} : vector<4096x16xf32>, vector<16x64xf32>, vector<4096x64xf32> -> vector<4096x64xf32>
    %add3A = arith.addf %dot_general3A_8, %dot_general3A_13 : vector<4096x64xf32>
    %broadcast_in_dim3A = arith.constant 0.000000e+00 : f32
    %broadcast_in_dim3A_14 = vector.broadcast %broadcast_in_dim3A : f32 to vector<4096x48xf32>
    %concatenate3A = tpu.concatenate %add3A, %get3A_4, %broadcast_in_dim3A_14 in 1 : vector<4096x64xf32>, vector<4096x16xf32>, vector<4096x48xf32> -> vector<4096x128xf32>
    %swap3A = arith.constant 0 : index
    %swap3A_15 = arith.constant 0 : index
    %swap3A_16 = vector.load %arg5[%swap3A, %swap3A_15] : memref<4096x128xf32, #tpu.memory_space<vmem>>, vector<4096x128xf32>
    tpu.vector_store %arg5[%swap3A, %swap3A_15], %concatenate3A {strides = array<i32>} : memref<4096x128xf32, #tpu.memory_space<vmem>>, vector<4096x128xf32>,
    %get3A_17 = arith.constant 0 : index
    %get3A_18 = arith.constant 0 : index
    %get3A_19 = vector.load %arg4[%get3A_17, %get3A_18] : memref<64x64xf32, #tpu.memory_space<vmem>>, vector<64x64xf32>
    %dot_general3A_20 = arith.constant dense<0.000000e+00> : vector<4096x64xf32>
    %dot_general3A_21 = tpu.matmul %get3A_1, %get3A_19, %dot_general3A_20 {dimension_numbers = #tpu.dot_dimension_numbers<[1], [0], [0], [1], [0, 0, 1, 1], [], []>, precision = #tpu.contract_precision<fp32>, transpose_lhs_hint = false} : vector<4096x64xf32>, vector<64x64xf32>, vector<4096x64xf32> -> vector<4096x64xf32>
    %sub3A = arith.subf %dot_general3A_21, %dot_general3A_13 : vector<4096x64xf32>
    %swap3A_22 = arith.constant 0 : index
    %swap3A_23 = arith.constant 0 : index
    %swap3A_24 = vector.load %arg6[%swap3A_22, %swap3A_23] : memref<4096x64xf32, #tpu.memory_space<vmem>>, vector<4096x64xf32>
    tpu.vector_store %arg6[%swap3A_22, %swap3A_23], %sub3A {strides = array<i32>} : memref<4096x64xf32, #tpu.memory_space<vmem>>, vector<4096x64xf32>,
    return
  }
}

module attributes {stable_mosaic.version = 14 : i64} {
  func.func @_dist_body(%arg0: i32, %arg1: memref<10240x128xf32, #tpu.memory_space<vmem>>, %arg2: memref<512x16xf32, #tpu.memory_space<vmem>>, %arg3: memref<512x20xf32, #tpu.memory_space<vmem>>) attributes {dimension_semantics = [#tpu.dimension_semantics<arbitrary>], iteration_bounds = array<i64: 8>, scalar_prefetch = 0 : i64, scratch_operands = 0 : i64, tpu.core_type = #tpu.core_type<tc>, window_params = [{transform_indices = @transform_0, window_bounds = array<i64: 10240, 128>}, {transform_indices = @transform_1, window_bounds = array<i64: 512, 16>}, {transform_indices = @transform_2, window_bounds = array<i64: 512, 20>}]} {
    %get3A = arith.constant 0 : index
    %get3A_0 = arith.constant 0 : index
    %get3A_1 = vector.load %arg1[%get3A, %get3A_0] : memref<10240x128xf32, #tpu.memory_space<vmem>>, vector<10240x128xf32>
    %slice3A = vector.extract_strided_slice %get3A_1 {offsets = [0, 64], sizes = [10240, 16], strides = [1, 1]} : vector<10240x128xf32> to vector<10240x16xf32>
    %get3A_2 = arith.constant 0 : index
    %get3A_3 = arith.constant 0 : index
    %get3A_4 = vector.load %arg2[%get3A_2, %get3A_3] : memref<512x16xf32, #tpu.memory_space<vmem>>, vector<512x16xf32>
    %broadcast_in_dim3A = vector.shape_cast %get3A_4 : vector<512x16xf32> to vector<512x1x16xf32>
    %reshape3A = vector.shape_cast %slice3A : vector<10240x16xf32> to vector<512x20x16xf32>
    %sub3A = vector.broadcast %broadcast_in_dim3A : vector<512x1x16xf32> to vector<512x20x16xf32>
    %sub3A_5 = arith.subf %sub3A, %reshape3A : vector<512x20x16xf32>
    %iota3A = tpu.iota {dimensions = array<i32: 2>} : vector<512x20x16xi32>
    %lt3A = arith.constant 3 : i32
    %lt3A_6 = vector.broadcast %lt3A : i32 to vector<512x20x16xi32>
    %lt3A_7 = arith.cmpi slt, %iota3A, %lt3A_6 : vector<512x20x16xi32>
    %add3A = arith.constant 9.99999997E-7 : f32
    %add3A_8 = vector.broadcast %add3A : f32 to vector<512x20x16xf32>
    %add3A_9 = arith.addf %sub3A_5, %add3A_8 : vector<512x20x16xf32>
    %jit3A = arith.constant 0.000000e+00 : f32
    %broadcast_in_dim3A_10 = vector.broadcast %jit3A : f32 to vector<512x20x16xf32>
    %select_n3A = arith.select %lt3A_7, %add3A_9, %broadcast_in_dim3A_10 : vector<512x20x16xi1>, vector<512x20x16xf32>
    %mul3A = arith.mulf %select_n3A, %select_n3A : vector<512x20x16xf32>
    %reduce_sum3A = arith.constant dense<0.000000e+00> : vector<512x20xf32>
    %reduce_sum3A_11 = vector.multi_reduction <add>, %mul3A, %reduce_sum3A [2] : vector<512x20x16xf32> to vector<512x20xf32>
    %sqrt3A = math.sqrt %reduce_sum3A_11 : vector<512x20xf32>
    %swap3A = arith.constant 0 : index
    %swap3A_12 = arith.constant 0 : index
    %swap3A_13 = vector.load %arg3[%swap3A, %swap3A_12] : memref<512x20xf32, #tpu.memory_space<vmem>>, vector<512x20xf32>
    tpu.vector_store %arg3[%swap3A, %swap3A_12], %sqrt3A {strides = array<i32>} : memref<512x20xf32, #tpu.memory_space<vmem>>, vector<512x20xf32>,
    return
  }
  func.func @transform_0(%arg0: i32) -> (i32, i32) {
    %c0_i32 = arith.constant 0 : i32
    %c0_i32_0 = arith.constant 0 : i32
    return %arg0, %c0_i32 : i32, i32
  }
  func.func @transform_1(%arg0: i32) -> (i32, i32) {
    %c0_i32 = arith.constant 0 : i32
    %c0_i32_0 = arith.constant 0 : i32
    return %arg0, %c0_i32 : i32, i32
  }
  func.func @transform_2(%arg0: i32) -> (i32, i32) {
    %c0_i32 = arith.constant 0 : i32
    %c0_i32_0 = arith.constant 0 : i32
    return %arg0, %c0_i32 : i32, i32
  }
}

module attributes {stable_mosaic.version = 14 : i64} {
  func.func @_conv1_body(%arg0: i32, %arg1: memref<10240x128xf32, #tpu.memory_space<vmem>>, %arg2: memref<512x64xf32, #tpu.memory_space<vmem>>, %arg3: memref<512x20xf32, #tpu.memory_space<vmem>>, %arg4: memref<1x64xf32, #tpu.memory_space<vmem>>, %arg5: memref<10240x64xbf16, #tpu.memory_space<vmem>>, %arg6: memref<2x64xf32, #tpu.memory_space<vmem>>) attributes {dimension_semantics = [#tpu.dimension_semantics<arbitrary>], iteration_bounds = array<i64: 8>, scalar_prefetch = 0 : i64, scratch_operands = 0 : i64, tpu.core_type = #tpu.core_type<tc>, window_params = [{transform_indices = @transform_0, window_bounds = array<i64: 10240, 128>}, {transform_indices = @transform_1, window_bounds = array<i64: 512, 64>}, {transform_indices = @transform_2, window_bounds = array<i64: 512, 20>}, {pipeline_mode = #tpu.pipeline_mode<synchronous>, transform_indices = @transform_3, window_bounds = array<i64: 1, 64>}, {transform_indices = @transform_4, window_bounds = array<i64: 10240, 64>}, {pipeline_mode = #tpu.pipeline_mode<synchronous>, transform_indices = @transform_5, window_bounds = array<i64: 2, 64>}]} {
    %get3A = arith.constant 0 : index
    %get3A_0 = arith.constant 0 : index
    %get3A_1 = vector.load %arg1[%get3A, %get3A_0] : memref<10240x128xf32, #tpu.memory_space<vmem>>, vector<10240x128xf32>
    %slice3A = vector.extract_strided_slice %get3A_1 {offsets = [0, 0], sizes = [10240, 64], strides = [1, 1]} : vector<10240x128xf32> to vector<10240x64xf32>
    %get3A_2 = arith.constant 0 : index
    %get3A_3 = arith.constant 0 : index
    %get3A_4 = vector.load %arg2[%get3A_2, %get3A_3] : memref<512x64xf32, #tpu.memory_space<vmem>>, vector<512x64xf32>
    %get3A_5 = arith.constant 0 : index
    %get3A_6 = arith.constant 0 : index
    %get3A_7 = vector.load %arg3[%get3A_5, %get3A_6] : memref<512x20xf32, #tpu.memory_space<vmem>>, vector<512x20xf32>
    %get3A_8 = arith.constant 0 : index
    %get3A_9 = arith.constant 0 : index
    %get3A_10 = vector.load %arg4[%get3A_8, %get3A_9] : memref<1x64xf32, #tpu.memory_space<vmem>>, vector<1x64xf32>
    %reshape3A = vector.shape_cast %get3A_10 : vector<1x64xf32> to vector<1x1x64xf32>
    %reshape3A_11 = vector.shape_cast %slice3A : vector<10240x64xf32> to vector<512x20x64xf32>
    %broadcast_in_dim3A = vector.shape_cast %get3A_4 : vector<512x64xf32> to vector<512x1x64xf32>
    %add3A = vector.broadcast %broadcast_in_dim3A : vector<512x1x64xf32> to vector<512x20x64xf32>
    %add3A_12 = arith.addf %reshape3A_11, %add3A : vector<512x20x64xf32>
    %broadcast_in_dim3A_13 = vector.shape_cast %get3A_7 : vector<512x20xf32> to vector<512x20x1xf32>
    %mul3A = vector.broadcast %broadcast_in_dim3A_13 : vector<512x20x1xf32> to vector<512x20x64xf32>
    %mul3A_14 = vector.broadcast %reshape3A : vector<1x1x64xf32> to vector<512x20x64xf32>
    %mul3A_15 = arith.mulf %mul3A, %mul3A_14 : vector<512x20x64xf32>
    %add3A_16 = arith.addf %add3A_12, %mul3A_15 : vector<512x20x64xf32>
    %reshape3A_17 = vector.shape_cast %add3A_16 : vector<512x20x64xf32> to vector<10240x64xf32>
    %convert_element_type3A = arith.truncf %reshape3A_17 : vector<10240x64xf32> to vector<10240x64xbf16>
    %swap3A = arith.constant 0 : index
    %swap3A_18 = arith.constant 0 : index
    %swap3A_19 = vector.load %arg5[%swap3A, %swap3A_18] : memref<10240x64xbf16, #tpu.memory_space<vmem>>, vector<10240x64xbf16>
    tpu.vector_store %arg5[%swap3A, %swap3A_18], %convert_element_type3A {strides = array<i32>} : memref<10240x64xbf16, #tpu.memory_space<vmem>>, vector<10240x64xbf16>,
    %reduce_sum3A = arith.constant dense<0.000000e+00> : vector<64xf32>
    %reduce_sum3A_20 = vector.multi_reduction <add>, %reshape3A_17, %reduce_sum3A [0] : vector<10240x64xf32> to vector<64xf32>
    %broadcast_in_dim3A_21 = vector.shape_cast %reduce_sum3A_20 : vector<64xf32> to vector<1x64xf32>
    %mul3A_22 = arith.mulf %reshape3A_17, %reshape3A_17 : vector<10240x64xf32>
    %reduce_sum3A_23 = arith.constant dense<0.000000e+00> : vector<64xf32>
    %reduce_sum3A_24 = vector.multi_reduction <add>, %mul3A_22, %reduce_sum3A_23 [0] : vector<10240x64xf32> to vector<64xf32>
    %broadcast_in_dim3A_25 = vector.shape_cast %reduce_sum3A_24 : vector<64xf32> to vector<1x64xf32>
    %eq3A = arith.constant 0 : i32
    %eq3A_26 = arith.cmpi eq, %arg0, %eq3A : i32
    %convert_element_type3A_27 = arith.extui %eq3A_26 : i1 to i32
    %cond3A = arith.constant 0 : i32
    %cond3A_28 = arith.cmpi ne, %convert_element_type3A_27, %cond3A : i32
    scf.if %cond3A_28 {
      %broadcast_in_dim3A_36 = arith.constant 0.000000e+00 : f32
      %broadcast_in_dim3A_37 = vector.broadcast %broadcast_in_dim3A_36 : f32 to vector<2x64xf32>
      %swap3A_38 = arith.constant 0 : index
      %swap3A_39 = arith.constant 0 : index
      %swap3A_40 = vector.load %arg6[%swap3A_38, %swap3A_39] : memref<2x64xf32, #tpu.memory_space<vmem>>, vector<2x64xf32>
      tpu.vector_store %arg6[%swap3A_38, %swap3A_39], %broadcast_in_dim3A_37 {strides = array<i32>} : memref<2x64xf32, #tpu.memory_space<vmem>>, vector<2x64xf32>,
    } else {
    }
    %get3A_29 = arith.constant 0 : index
    %get3A_30 = arith.constant 0 : index
    %get3A_31 = vector.load %arg6[%get3A_29, %get3A_30] : memref<2x64xf32, #tpu.memory_space<vmem>>, vector<2x64xf32>
    %concatenate3A = tpu.concatenate %broadcast_in_dim3A_21, %broadcast_in_dim3A_25 in 0 : vector<1x64xf32>, vector<1x64xf32> -> vector<2x64xf32>
    %add3A_32 = arith.addf %get3A_31, %concatenate3A : vector<2x64xf32>
    %swap3A_33 = arith.constant 0 : index
    %swap3A_34 = arith.constant 0 : index
    %swap3A_35 = vector.load %arg6[%swap3A_33, %swap3A_34] : memref<2x64xf32, #tpu.memory_space<vmem>>, vector<2x64xf32>
    tpu.vector_store %arg6[%swap3A_33, %swap3A_34], %add3A_32 {strides = array<i32>} : memref<2x64xf32, #tpu.memory_space<vmem>>, vector<2x64xf32>,
    return
  }
  func.func @transform_0(%arg0: i32) -> (i32, i32) {
    %c0_i32 = arith.constant 0 : i32
    %c0_i32_0 = arith.constant 0 : i32
    return %arg0, %c0_i32 : i32, i32
  }
  func.func @transform_1(%arg0: i32) -> (i32, i32) {
    %c0_i32 = arith.constant 0 : i32
    %c0_i32_0 = arith.constant 0 : i32
    return %arg0, %c0_i32 : i32, i32
  }
  func.func @transform_2(%arg0: i32) -> (i32, i32) {
    %c0_i32 = arith.constant 0 : i32
    %c0_i32_0 = arith.constant 0 : i32
    return %arg0, %c0_i32 : i32, i32
  }
  func.func @transform_3(%arg0: i32) -> (i32, i32) {
    %c0_i32 = arith.constant 0 : i32
    %c0_i32_0 = arith.constant 0 : i32
    %c0_i32_1 = arith.constant 0 : i32
    return %c0_i32, %c0_i32_0 : i32, i32
  }
  func.func @transform_4(%arg0: i32) -> (i32, i32) {
    %c0_i32 = arith.constant 0 : i32
    %c0_i32_0 = arith.constant 0 : i32
    return %arg0, %c0_i32 : i32, i32
  }
  func.func @transform_5(%arg0: i32) -> (i32, i32) {
    %c0_i32 = arith.constant 0 : i32
    %c0_i32_0 = arith.constant 0 : i32
    %c0_i32_1 = arith.constant 0 : i32
    return %c0_i32, %c0_i32_0 : i32, i32
  }
}

module attributes {stable_mosaic.version = 14 : i64} {
  func.func @_conv2_body(%arg0: i32, %arg1: memref<10240x64xbf16, #tpu.memory_space<vmem>>, %arg2: memref<2x64xf32, #tpu.memory_space<vmem>>, %arg3: memref<64x128xbf16, #tpu.memory_space<vmem>>, %arg4: memref<512x128xf32, #tpu.memory_space<vmem>>, %arg5: memref<2x128xf32, #tpu.memory_space<vmem>>) attributes {dimension_semantics = [#tpu.dimension_semantics<arbitrary>], iteration_bounds = array<i64: 8>, scalar_prefetch = 0 : i64, scratch_operands = 0 : i64, tpu.core_type = #tpu.core_type<tc>, window_params = [{transform_indices = @transform_0, window_bounds = array<i64: 10240, 64>}, {pipeline_mode = #tpu.pipeline_mode<synchronous>, transform_indices = @transform_1, window_bounds = array<i64: 2, 64>}, {pipeline_mode = #tpu.pipeline_mode<synchronous>, transform_indices = @transform_2, window_bounds = array<i64: 64, 128>}, {transform_indices = @transform_3, window_bounds = array<i64: 512, 128>}, {pipeline_mode = #tpu.pipeline_mode<synchronous>, transform_indices = @transform_4, window_bounds = array<i64: 2, 128>}]} {
    %get3A = arith.constant 0 : index
    %get3A_0 = arith.constant 0 : index
    %get3A_1 = vector.load %arg1[%get3A, %get3A_0] : memref<10240x64xbf16, #tpu.memory_space<vmem>>, vector<10240x64xbf16>
    %convert_element_type3A = arith.extf %get3A_1 : vector<10240x64xbf16> to vector<10240x64xf32>
    %get3A_2 = arith.constant 0 : index
    %get3A_3 = arith.constant 0 : index
    %get3A_4 = vector.load %arg2[%get3A_2, %get3A_3] : memref<2x64xf32, #tpu.memory_space<vmem>>, vector<2x64xf32>
    %slice3A = vector.extract_strided_slice %get3A_4 {offsets = [0, 0], sizes = [1, 64], strides = [1, 1]} : vector<2x64xf32> to vector<1x64xf32>
    %mul3A = vector.broadcast %slice3A : vector<1x64xf32> to vector<10240x64xf32>
    %mul3A_5 = arith.mulf %convert_element_type3A, %mul3A : vector<10240x64xf32>
    %slice3A_6 = vector.extract_strided_slice %get3A_4 {offsets = [1, 0], sizes = [1, 64], strides = [1, 1]} : vector<2x64xf32> to vector<1x64xf32>
    %add3A = vector.broadcast %slice3A_6 : vector<1x64xf32> to vector<10240x64xf32>
    %add3A_7 = arith.addf %mul3A_5, %add3A : vector<10240x64xf32>
    %gt3A = arith.constant 0.000000e+00 : f32
    %gt3A_8 = vector.broadcast %gt3A : f32 to vector<10240x64xf32>
    %gt3A_9 = arith.cmpf ogt, %add3A_7, %gt3A_8 : vector<10240x64xf32>
    %mul3A_10 = arith.constant 2.000000e-01 : f32
    %mul3A_11 = vector.broadcast %mul3A_10 : f32 to vector<10240x64xf32>
    %mul3A_12 = arith.mulf %mul3A_11, %add3A_7 : vector<10240x64xf32>
    %select_n3A = arith.select %gt3A_9, %add3A_7, %mul3A_12 : vector<10240x64xi1>, vector<10240x64xf32>
    %convert_element_type3A_13 = arith.truncf %select_n3A : vector<10240x64xf32> to vector<10240x64xbf16>
    %get3A_14 = arith.constant 0 : index
    %get3A_15 = arith.constant 0 : index
    %get3A_16 = vector.load %arg3[%get3A_14, %get3A_15] : memref<64x128xbf16, #tpu.memory_space<vmem>>, vector<64x128xbf16>
    %dot_general3A = arith.constant dense<0.000000e+00> : vector<10240x128xf32>
    %dot_general3A_17 = tpu.matmul %convert_element_type3A_13, %get3A_16, %dot_general3A {dimension_numbers = #tpu.dot_dimension_numbers<[1], [0], [0], [1], [0, 0, 1, 1], [], []>, transpose_lhs_hint = false} : vector<10240x64xbf16>, vector<64x128xbf16>, vector<10240x128xf32> -> vector<10240x128xf32>
    %reduce_sum3A = arith.constant dense<0.000000e+00> : vector<128xf32>
    %reduce_sum3A_18 = vector.multi_reduction <add>, %dot_general3A_17, %reduce_sum3A [0] : vector<10240x128xf32> to vector<128xf32>
    %broadcast_in_dim3A = vector.shape_cast %reduce_sum3A_18 : vector<128xf32> to vector<1x128xf32>
    %mul3A_19 = arith.mulf %dot_general3A_17, %dot_general3A_17 : vector<10240x128xf32>
    %reduce_sum3A_20 = arith.constant dense<0.000000e+00> : vector<128xf32>
    %reduce_sum3A_21 = vector.multi_reduction <add>, %mul3A_19, %reduce_sum3A_20 [0] : vector<10240x128xf32> to vector<128xf32>
    %broadcast_in_dim3A_22 = vector.shape_cast %reduce_sum3A_21 : vector<128xf32> to vector<1x128xf32>
    %eq3A = arith.constant 0 : i32
    %eq3A_23 = arith.cmpi eq, %arg0, %eq3A : i32
    %convert_element_type3A_24 = arith.extui %eq3A_23 : i1 to i32
    %cond3A = arith.constant 0 : i32
    %cond3A_25 = arith.cmpi ne, %convert_element_type3A_24, %cond3A : i32
    scf.if %cond3A_25 {
      %broadcast_in_dim3A_36 = arith.constant 0.000000e+00 : f32
      %broadcast_in_dim3A_37 = vector.broadcast %broadcast_in_dim3A_36 : f32 to vector<2x128xf32>
      %swap3A_38 = arith.constant 0 : index
      %swap3A_39 = arith.constant 0 : index
      %swap3A_40 = vector.load %arg5[%swap3A_38, %swap3A_39] : memref<2x128xf32, #tpu.memory_space<vmem>>, vector<2x128xf32>
      tpu.vector_store %arg5[%swap3A_38, %swap3A_39], %broadcast_in_dim3A_37 {strides = array<i32>} : memref<2x128xf32, #tpu.memory_space<vmem>>, vector<2x128xf32>,
    } else {
    }
    %get3A_26 = arith.constant 0 : index
    %get3A_27 = arith.constant 0 : index
    %get3A_28 = vector.load %arg5[%get3A_26, %get3A_27] : memref<2x128xf32, #tpu.memory_space<vmem>>, vector<2x128xf32>
    %concatenate3A = tpu.concatenate %broadcast_in_dim3A, %broadcast_in_dim3A_22 in 0 : vector<1x128xf32>, vector<1x128xf32> -> vector<2x128xf32>
    %add3A_29 = arith.addf %get3A_28, %concatenate3A : vector<2x128xf32>
    %swap3A = arith.constant 0 : index
    %swap3A_30 = arith.constant 0 : index
    %swap3A_31 = vector.load %arg5[%swap3A, %swap3A_30] : memref<2x128xf32, #tpu.memory_space<vmem>>, vector<2x128xf32>
    tpu.vector_store %arg5[%swap3A, %swap3A_30], %add3A_29 {strides = array<i32>} : memref<2x128xf32, #tpu.memory_space<vmem>>, vector<2x128xf32>,
    %reshape3A = vector.shape_cast %dot_general3A_17 : vector<10240x128xf32> to vector<512x20x128xf32>
    %reduce_max3A = arith.constant dense<0xFF800000> : vector<512x128xf32>
    %reduce_max3A_32 = vector.multi_reduction <maximumf>, %reshape3A, %reduce_max3A [1] : vector<512x20x128xf32> to vector<512x128xf32>
    %swap3A_33 = arith.constant 0 : index
    %swap3A_34 = arith.constant 0 : index
    %swap3A_35 = vector.load %arg4[%swap3A_33, %swap3A_34] : memref<512x128xf32, #tpu.memory_space<vmem>>, vector<512x128xf32>
    tpu.vector_store %arg4[%swap3A_33, %swap3A_34], %reduce_max3A_32 {strides = array<i32>} : memref<512x128xf32, #tpu.memory_space<vmem>>, vector<512x128xf32>,
    return
  }
  func.func @transform_0(%arg0: i32) -> (i32, i32) {
    %c0_i32 = arith.constant 0 : i32
    %c0_i32_0 = arith.constant 0 : i32
    return %arg0, %c0_i32 : i32, i32
  }
  func.func @transform_1(%arg0: i32) -> (i32, i32) {
    %c0_i32 = arith.constant 0 : i32
    %c0_i32_0 = arith.constant 0 : i32
    %c0_i32_1 = arith.constant 0 : i32
    return %c0_i32, %c0_i32_0 : i32, i32
  }
  func.func @transform_2(%arg0: i32) -> (i32, i32) {
    %c0_i32 = arith.constant 0 : i32
    %c0_i32_0 = arith.constant 0 : i32
    %c0_i32_1 = arith.constant 0 : i32
    return %c0_i32, %c0_i32_0 : i32, i32
  }
  func.func @transform_3(%arg0: i32) -> (i32, i32) {
    %c0_i32 = arith.constant 0 : i32
    %c0_i32_0 = arith.constant 0 : i32
    return %arg0, %c0_i32 : i32, i32
  }
  func.func @transform_4(%arg0: i32) -> (i32, i32) {
    %c0_i32 = arith.constant 0 : i32
    %c0_i32_0 = arith.constant 0 : i32
    %c0_i32_1 = arith.constant 0 : i32
    return %c0_i32, %c0_i32_0 : i32, i32
  }
}

module attributes {stable_mosaic.version = 14 : i64} {
  func.func @_final_body(%arg0: memref<4096x128xf32, #tpu.memory_space<vmem>>, %arg1: memref<2x128xf32, #tpu.memory_space<vmem>>, %arg2: memref<4096x128xf32, #tpu.memory_space<vmem>>) attributes {dimension_semantics = [], scalar_prefetch = 0 : i64, scratch_operands = 0 : i64, tpu.core_type = #tpu.core_type<tc>} {
    %get3A = arith.constant 0 : index
    %get3A_0 = arith.constant 0 : index
    %get3A_1 = vector.load %arg1[%get3A, %get3A_0] : memref<2x128xf32, #tpu.memory_space<vmem>>, vector<2x128xf32>
    %get3A_2 = arith.constant 0 : index
    %get3A_3 = arith.constant 0 : index
    %get3A_4 = vector.load %arg0[%get3A_2, %get3A_3] : memref<4096x128xf32, #tpu.memory_space<vmem>>, vector<4096x128xf32>
    %slice3A = vector.extract_strided_slice %get3A_1 {offsets = [0, 0], sizes = [1, 128], strides = [1, 1]} : vector<2x128xf32> to vector<1x128xf32>
    %mul3A = vector.broadcast %slice3A : vector<1x128xf32> to vector<4096x128xf32>
    %mul3A_5 = arith.mulf %get3A_4, %mul3A : vector<4096x128xf32>
    %slice3A_6 = vector.extract_strided_slice %get3A_1 {offsets = [1, 0], sizes = [1, 128], strides = [1, 1]} : vector<2x128xf32> to vector<1x128xf32>
    %add3A = vector.broadcast %slice3A_6 : vector<1x128xf32> to vector<4096x128xf32>
    %add3A_7 = arith.addf %mul3A_5, %add3A : vector<4096x128xf32>
    %gt3A = arith.constant 0.000000e+00 : f32
    %gt3A_8 = vector.broadcast %gt3A : f32 to vector<4096x128xf32>
    %gt3A_9 = arith.cmpf ogt, %add3A_7, %gt3A_8 : vector<4096x128xf32>
    %mul3A_10 = arith.constant 2.000000e-01 : f32
    %mul3A_11 = vector.broadcast %mul3A_10 : f32 to vector<4096x128xf32>
    %mul3A_12 = arith.mulf %mul3A_11, %add3A_7 : vector<4096x128xf32>
    %select_n3A = arith.select %gt3A_9, %add3A_7, %mul3A_12 : vector<4096x128xi1>, vector<4096x128xf32>
    %swap3A = arith.constant 0 : index
    %swap3A_13 = arith.constant 0 : index
    %swap3A_14 = vector.load %arg2[%swap3A, %swap3A_13] : memref<4096x128xf32, #tpu.memory_space<vmem>>, vector<4096x128xf32>
    tpu.vector_store %arg2[%swap3A, %swap3A_13], %select_n3A {strides = array<i32>} : memref<4096x128xf32, #tpu.memory_space<vmem>>, vector<4096x128xf32>,
    return
  }
}

</mosaic_0001>

<sc_bundles>
// kernel: kernel.9.cloned.1.call-start
scs
__scs_entry_jumppad:
0x0: {  	(pc) =	sbr.rel $0x88, $3  }
0x1: {  	(tag) =	ssettag $0x0;
	lr =	simm.s32 $0x1  }
0x2: {  	[smem:$0x3F99] =	sst lr;
	_ =	strace $0xD0000000  }
0x3: {  	_ = 	snop  }
0x4: {  	_ = 	snop  }
0x5: {  	_ = 	snop  }
0x6: {  	_ = 	snop  }
0x7: {  	_ = 	snop  }
__scs_overlays_trampoline_lowered:
0x8: {  	[smem:$0x3FA8] =	sst s0  }
0x9: {  	[smem:$0x3FA9] =	sst s1  }
0xa: {  	[smem:$0x3FAA] =	sst s2  }
0xb: {  	[smem:$0x3FAB] =	sst s3  }
0xc: {  	[smem:$0x3FAC] =	sst s4  }
0xd: {  	[smem:$0x3FAD] =	sst s5  }
0xe: {  	[smem:$0x3FAE] =	sst s6  }
0xf: {  	[smem:$0x3FAF] =	sst s7  }
0x10: {  	[smem:$0x3FB0] =	sst s8  }
0x11: {  	[smem:$0x3FB1] =	sst s9;
	s0 =	simm.s32 @!p0 $0x0  }
0x12: {  	s1 =	sld [smem:$0x3F97];
	s0 =	simm.s32 @p0 $0x1  }
0x13: {  	[smem:$0x3FB2] =	sst s0;
	s0 =	simm.s32 @!p1 $0x0  }
0x14: {  	s2 =	sld [smem:$0x3F96];
	s0 =	simm.s32 @p1 $0x1  }
0x15: {  	[smem:$0x3FB3] =	sst s0;
	s0 =	simm.s32 @!p2 $0x0  }
0x16: {  	s3 =	sld [smem:$0x3FDB];
	s0 =	simm.s32 @p2 $0x1  }
0x17: {  	s4 =	simm.s32 $0x1BF5;
	[smem:$0x3FB5] =	sst s0  }
0x18: {  	s0 =	sld [smem:$0x3F98];
	_ =	swait.ge [sflag:s4], $0x0  }
0x19: {  	s7 =	sld [smem:$0x3F99]  }
0x1a: {  	s8 =	sadd.s32 $0xFFFFE003, lr  }
0x1b: {  	s9 =	sadd.s32 $0xFFFFFEF7, lr;
	s5 =	simm.s32 $0xFFFFFFFF;
	p2 =	slt.u32 s8, $0xFFFFF086  }
0x1c: {  	p1 =	slt.u32 s9, $0xF7A;
	s5 =	simm.s32 @!p2 $0x0  }
0x1d: {  	s5 =	simm.s32 @p1 $0x1;
	p0 =	seq.s32 s7, s2  }
0x1e: {  	s7 =	smul.u32 @!p0 $0xF7A, s2;
	p2 =	seq.s32 @!p0 s5, $0x0  }
0x1f: {  	s9 =	smul.u32 $0xF7A, s1;
	s8 =	simm.s32 @!p0 $0x1BF5;
	p2 =	por !p2, p0  }
0x20: {  	[sflag:s8] =	ssyncset.s32 @!p0 $0xFFFFF086;
	s6 =	sadd.s32 @!p0 s3, s7;
	s7 =	simm.s32 @!p0 $0x108  }
0x21: {  	s3 =	sadd.s32 s3, s9;
	s6 =	sadd.s32 @!p0 $0x88, s6;
	s7 =	simm.s32 @p2 $0x1082  }
0x22: {  	[simem:s7], [sflag:s8] =	dma.local @!p0 [hbm:s6], $0xF7A  }
0x23: {  	s9 =	sor.u32 $0xD0000000, s2;
	s6 =	simm.s32 $0x108;
	_ =	swait.ge @!p0 [sflag:s8], $0x0  }
0x24: {  	s3 =	sadd.s32 $0x88, s3;
	s6 =	simm.s32 @!p1 $0x1082;
	[sflag:s4] =	ssyncset.s32 $0xFFFFF086  }
0x25: {  	[simem:s6], [sflag:s4] =	dma.local [hbm:s3], $0xF7A  }
0x26: {  	[smem:$0x3F99] =	sst s1;
	(tag) =	ssettag s2;
	_ =	strace s9  }
0x27: {  	s1 =	sld [smem:$0x3FA9]  }
0x28: {  	s2 =	sld [smem:$0x3FAA]  }
0x29: {  	s4 =	sld [smem:$0x3FAC]  }
0x2a: {  	p0 =	seq.s32 s5, $0x0;
	s5 =	sld [smem:$0x3FAD]  }
0x2b: {  	s6 =	sld [smem:$0x3FAE]  }
0x2c: {  	s7 =	sld [smem:$0x3FAF]  }
0x2d: {  	s3 =	simm.s32 $0x108;
	s8 =	sld [smem:$0x3FB0]  }
0x2e: {  	s3 =	simm.s32 @!p0 $0x1082;
	s9 =	sld [smem:$0x3FB1]  }
0x2f: {  	lr =	sadd.s32 s0, s3;
	s0 =	sld [smem:$0x3FA8]  }
0x30: {  	s3 =	sld [smem:$0x3FAB]  }
0x31: {  	[smem:$0x3FB4] =	sst s10  }
0x32: {  	s10 =	sld [smem:$0x3FB2];
	_ =	sdelay $0x3  }
0x33: {  	p0 =	seq.s32 s10, $0x1;
	s10 =	sld [smem:$0x3FB4];
	_ =	sdelay $0x3  }
0x34: {  	[smem:$0x3FB4] =	sst s10  }
0x35: {  	s10 =	sld [smem:$0x3FB3];
	_ =	sdelay $0x3  }
0x36: {  	p1 =	seq.s32 s10, $0x1;
	s10 =	sld [smem:$0x3FB4];
	_ =	sdelay $0x3  }
0x37: {  	[smem:$0x3FB4] =	sst s10  }
0x38: {  	s10 =	sld [smem:$0x3FB5]  }
0x39: {  	_ = 	snop;
	(pc) =	sbr.ind lr, $3  }
0x3a: {  	_ = 	snop  }
0x3b: {  	_ = 	snop  }
0x3c: {  	p2 =	seq.s32 s10, $0x1;
	s10 =	sld [smem:$0x3FB4]  }
0x3d: {  	_ =	shalt  }
0x3e: {  	_ =	shalt  }
0x3f: {  	_ =	shalt  }
0x40: {  	_ =	shalt  }
0x41: {  	_ =	shalt  }
0x42: {  	_ =	shalt  }
0x43: {  	_ =	shalt  }
0x44: {  	_ =	shalt  }
0x45: {  	_ =	shalt  }
0x46: {  	_ =	shalt  }
0x47: {  	_ =	shalt  }
0x48: {  	_ =	shalt  }
0x49: {  	_ =	shalt  }
0x4a: {  	_ =	shalt  }
0x4b: {  	_ =	shalt  }
0x4c: {  	_ =	shalt  }
0x4d: {  	_ =	shalt  }
0x4e: {  	_ =	shalt  }
0x4f: {  	_ =	shalt  }
0x50: {  	_ =	shalt  }
0x51: {  	_ =	shalt  }
0x52: {  	_ =	shalt  }
0x53: {  	_ =	shalt  }
0x54: {  	_ =	shalt  }
0x55: {  	_ =	shalt  }
0x56: {  	_ =	shalt  }
0x57: {  	_ =	shalt  }
0x58: {  	_ =	shalt  }
0x59: {  	_ =	shalt  }
0x5a: {  	_ =	shalt  }
0x5b: {  	_ =	shalt  }
0x5c: {  	_ =	shalt  }
0x5d: {  	_ =	shalt  }
0x5e: {  	_ =	shalt  }
0x5f: {  	_ =	shalt  }
0x60: {  	_ =	shalt  }
0x61: {  	_ =	shalt  }
0x62: {  	_ =	shalt  }
0x63: {  	_ =	shalt  }
0x64: {  	_ =	shalt  }
0x65: {  	_ =	shalt  }
0x66: {  	_ =	shalt  }
0x67: {  	_ =	shalt  }
0x68: {  	_ =	shalt  }
0x69: {  	_ =	shalt  }
0x6a: {  	_ =	shalt  }
0x6b: {  	_ =	shalt  }
0x6c: {  	_ =	shalt  }
0x6d: {  	_ =	shalt  }
0x6e: {  	_ =	shalt  }
0x6f: {  	_ =	shalt  }
0x70: {  	_ =	shalt  }
0x71: {  	_ =	shalt  }
0x72: {  	_ =	shalt  }
0x73: {  	_ =	shalt  }
0x74: {  	_ =	shalt  }
0x75: {  	_ =	shalt  }
0x76: {  	_ =	shalt  }
0x77: {  	_ =	shalt  }
0x78: {  	_ =	shalt  }
0x79: {  	_ =	shalt  }
0x7a: {  	_ =	shalt  }
0x7b: {  	_ =	shalt  }
0x7c: {  	_ =	shalt  }
0x7d: {  	_ =	shalt  }
0x7e: {  	_ =	shalt  }
0x7f: {  	_ =	shalt  }
0x80: {  	_ =	shalt  }
0x81: {  	_ =	shalt  }
0x82: {  	_ =	shalt  }
0x83: {  	_ =	shalt  }
0x84: {  	_ =	shalt  }
0x85: {  	_ =	shalt  }
0x86: {  	_ =	shalt  }
0x87: {  	_ =	shalt  }
.Lfunc_end0:
.L_simem_size_0:
called_computation_lowered:
.L_overlay_start_0:
0x88: {  	s2 =	sld [smem:$0x3FD9]  }
0x89: {  	s3 =	sld [smem:$0x3FFE];
	_ =	sdelay $0x1  }
0x8a: {  	s1 =	srdreg.scid  }
0x8b: {  	s0 =	sand.u32 $0x1, s1  }
0x8c: {  	s17 =	sshll.u32 s0, $0xA;
	s2 =	sadd.s32 s3, s2  }
0x8d: {  	s2 =	sadd.s32 s2, s17  }
0x8e: {  	[smem:$0x3FC0] =	sst s2  }
0x8f: {  	_ = 	snop  }
0x90: {  	s2 =	sld [smem:$0x3FD0];
	(tm) =	ssettm $0x1  }
0x91: {  	s18 =	sld [smem:$0x3FFB];
	_ =	sdelay $0x3  }
0x92: {  	_ =	strace s18  }
0x93: {  	s3 =	sld [smem:$0x3FFC];
	_ =	sdelay $0x3  }
0x94: {  	_ =	strace s3  }
0x95: {  	s3 =	sld [smem:$0x3FFD];
	_ =	sdelay $0x3  }
0x96: {  	_ =	strace s3  }
0x97: {  	_ =	strace $0x8FFFFFFF  }
0x98: {  	s19 =	sld [smem:$0x3FDB];
	_ =	sdelay $0x1  }
0x99: {  	s4 =	simm.s32 $_scs_section_size  }
0x9a: {  	s5 =	simm.s32 $_size__tile_overlayer_lowered;
	s6 =	simm.s32 $_tile_overlayer_lowered  }
0x9b: {  	s22 =	simm.s32 $0x1BFF;
	s21 =	sshll.u32 s6, $0x1;
	s3 =	sadd.s32 s4, s19  }
0x9c: {  	s7 =	simm.s32 $0x0;
	s20 =	sshll.u32 s5, $0x1;
	s5 =	sadd.s32 s21, s3  }
0x9d: {  	[timem:s7], [sflag:s22] =	dma.local [hbm:s5], s20  }
0x9e: {  	_ =	swait.ge [sflag:s22], s20  }
0x9f: {  	s4 =	ssub.s32 $0x0, s20;
	[sflag:s22] =	ssyncset.done $0x0  }
0xa0: {  	[sflag:s22] =	ssyncadd.s32 s4;
	_ =	sdelay $0x1  }
0xa1: {  	s23 =	simm.s32 $0x1B8B  }
0xa2: {  	_ =	swait.ge [sflag:s23], $0x1  }
0xa3: {  	[sflag:s23] =	ssyncset.done $0x0  }
0xa4: {  	s25 =	simm.s32 $0x1B8E;
	s24 =	sld [smem:$0x3FFE];
	[sflag:s23] =	ssyncadd.s32 $0xFFFFFFFF  }
0xa5: {  	s26 =	simm.s32 $execute0_lowered;
	[smem:$0x3FD2] =	sst s25  }
0xa6: {  	s5 =	sshll.u32 s26, $0x1;
	_ =	strace $0x80000046;
	[dreg:$0x1] =	wrdreg $0xFFFFFFFF  }
0xa7: {  	s28 =	simm.s32 $_size_execute0_lowered;
	s3 =	sadd.s32 s3, s5;
	[dreg:$0x0] =	wrdreg $0x0  }
0xa8: {  	s5 =	sshll.u32 s28, $0x1;
	[dreg:$0x2] =	wrdreg s3  }
0xa9: {  	[dreg:$0x3] =	wrdreg s5  }
0xaa: {  	[dreg:$0x4] =	wrdreg $0xC0  }
0xab: {  	_ =	task [dreg:s7], $0x5FFFF  }
0xac: {  	[dreg:$0x1] =	wrdreg $0xFFFFFFFF  }
0xad: {  	[dreg:$0x0] =	wrdreg $0x60  }
0xae: {  	[dreg:$0x2] =	wrdreg s2  }
0xaf: {  	[dreg:$0x3] =	wrdreg s24  }
0xb0: {  	[dreg:$0x4] =	wrdreg $0x9  }
0xb1: {  	_ =	task.clear_ibuf [dreg:s7], $0x5FFFF;
	_ =	strace $0x90000046  }
0xb2: {  	s29 =	simm.s32 $0x9;
	_ =	strace $0x80000048  }
0xb3: {  	_ =	swait.ge [sflag:s29], $0x1  }
0xb4: {  	[sflag:s29] =	ssyncadd.s32 $0xFFFFFFFF  }
0xb5: {  	_ =	strace $0x90000048  }
0xb6: {  	_ =	sfence  }
0xb7: {  	s30 =	sld [smem:$0x0];
	_ =	sdelay $0x2  }
0xb8: {  	s31 =	sshll.u32 s1, $0xD;
	s1 =	sshrl.u32 s1, $0x2  }
0xb9: {  	s3 =	sand.u32 $0x4000, s31;
	s1 =	sadd.s32 s1, s30  }
0xba: {  	s0 =	sor.u32 s3, s0;
	s1 =	sshll.u32 s1, $0x11  }
0xbb: {  	s0 =	sor.u32 s1, s0  }
0xbc: {  	s0 =	sadd.s32 $0x8F2B, s0  }
0xbd: {  	[sflag:s0] =	ssyncadd.remote.s32 $0x1  }
0xbe: {  	_ =	sfence.sel $0xFFFF  }
0xbf: {  	[dreg:$0x0] =	wrdreg $0xFFFFFFFF;
	(pc) =	sbr.abs _section_cstart, $3  }
0xc0: {  	[dreg:$0x1] =	wrdreg $0xFFFFFFFF  }
0xc1: {  	_ =	task.clear_ibuf [dreg:s7], $0x2FFFF;
	_ =	strace $0x9FFFFFFF  }
0xc2: {  	(tm) =	ssettm $0x7FFFFFFF  }
0xc3: {  	_ =	shalt  }
tec
execute0_lowered:
.L_overlay_start_1:
0x0: {  	(tag) =	ssettag $0x1  }
0x1: {  	s1 =	srdreg.scid;
	s0 =	stileid.u32  }
0x2: {  	s24 =	sand.u32 $0x1, s1;
	s30 =	sshll.u32 s0, $0x1  }
0x3: {  	s2 =	rddreg [dreg:$0x0];
	s14 =	sor.u32 s24, s30  }
0x4: {  	s10 =	rddreg [dreg:$0x1];
	s4 =	smul.u32 $0x140, s14  }
0x5: {  	s3 =	simm.s32 $0x0;
	s1 =	rddreg [dreg:$0x2]  }
0x6: {  	[smem:$0x7FF] =	sst s3;
	s4 =	sadd.s32 s4, s10  }
0x7: {  	_ =	strace $0x80000047;
	s5 =	sadd.s32 $0x1C00, s4;
	s4 =	simm.s32 $0x3  }
0x8: {  	[tilespmem:s3], [sflag:$0x3] =	stream.linear.gather [hbm4b:s5+s3], $0xA00, $0x38;
	[tilespmem:$0x14A00] =	vst v63  }
0x9: {  	_ =	swait.ge [sflag:s4], $0xA00  }
0xa: {  	[sflag:s4] =	ssyncset.done $0x0  }
0xb: {  	s6 =	simm.s32 $0x140;
	s7 =	simm.s32 $0xA00;
	[sflag:s4] =	ssyncadd.s32 $0xFFFFF600  }
0xc: {  	[tilespmem:s7], [sflag:$0x1] =	stream.indirect.gather [hbm4b:s2+s6], $0x80, s3, s6, $0xb8;
	[tilespmem:$0x14A00] =	vst v63  }
0xd: {  	s8 =	simm.s32 $0xAA00;
	s9 =	simm.s32 $0x1  }
0xe: {  	[tilespmem:s8], [sflag:$0x2] =	stream.indirect.gather [hbm4b:s2+s6], $0x80, s6, s6, $0xb8;
	[tilespmem:$0x14A00] =	vst v63  }
0xf: {  	s11 =	smul.u32 $0xA000, s14;
	_ =	swait.ge [sflag:s9], $0xA000  }
0x10: {  	s15 =	sadd.s32 $0x4400, s10;
	[sflag:s9] =	ssyncset.done $0x0  }
0x11: {  	s10 =	sadd.s32 s15, s11;
	[sflag:s9] =	ssyncadd.s32 $0xFFFF6000  }
0x12: {  	[hbm4b:s10+s3] =	stream.linear.scatter [tilespmem:s7], [sflag:$0x3], $0xA000, $0x38;
	[tilespmem:$0x14A00] =	vst v63  }
0x13: {  	_ =	swait.ge [sflag:s4], $0xA000  }
0x14: {  	[sflag:s4] =	ssyncset.done $0x0  }
0x15: {  	s12 =	simm.s32 $0x2;
	s11 =	simm.s32 $0x280;
	[sflag:s4] =	ssyncadd.s32 $0xFFFF6000  }
0x16: {  	[tilespmem:s7], [sflag:$0x1] =	stream.indirect.gather [hbm4b:s2+s6], $0x80, s11, s6, $0xb8;
	[tilespmem:$0x14A00] =	vst v63  }
0x17: {  	_ =	swait.ge [sflag:s12], $0xA000  }
0x18: {  	[sflag:s12] =	ssyncset.done $0x0  }
0x19: {  	s13 =	sadd.s32 $0x1400, s10;
	[sflag:s12] =	ssyncadd.s32 $0xFFFF6000  }
0x1a: {  	[hbm4b:s13+s3] =	stream.linear.scatter [tilespmem:s8], [sflag:$0x3], $0xA000, $0x38;
	[tilespmem:$0x14A00] =	vst v63  }
0x1b: {  	_ =	swait.ge [sflag:s4], $0xA000  }
0x1c: {  	[sflag:s4] =	ssyncset.done $0x0  }
0x1d: {  	s16 =	smul.u32 $0x50000, s14;
	s14 =	simm.s32 $0x3C0;
	[sflag:s4] =	ssyncadd.s32 $0xFFFF6000  }
0x1e: {  	[tilespmem:s8], [sflag:$0x2] =	stream.indirect.gather [hbm4b:s2+s6], $0x80, s14, s6, $0xb8;
	[tilespmem:$0x14A00] =	vst v63  }
0x1f: {  	s16 =	sshrl.u32 s16, $0x3;
	_ =	swait.ge [sflag:s9], $0xA000  }
0x20: {  	s25 =	sadd.s32 s15, s16;
	[sflag:s9] =	ssyncset.done $0x0  }
0x21: {  	s15 =	sadd.s32 $0x2800, s25;
	[sflag:s9] =	ssyncadd.s32 $0xFFFF6000  }
0x22: {  	[hbm4b:s15+s3] =	stream.linear.scatter [tilespmem:s7], [sflag:$0x3], $0xA000, $0x38;
	[tilespmem:$0x14A00] =	vst v63  }
0x23: {  	_ =	swait.ge [sflag:s4], $0xA000  }
0x24: {  	[sflag:s4] =	ssyncset.done $0x0  }
0x25: {  	s16 =	simm.s32 $0x500;
	[sflag:s4] =	ssyncadd.s32 $0xFFFF6000  }
0x26: {  	[tilespmem:s7], [sflag:$0x1] =	stream.indirect.gather [hbm4b:s2+s6], $0x80, s16, s6, $0xb8;
	[tilespmem:$0x14A00] =	vst v63  }
0x27: {  	_ =	swait.ge [sflag:s12], $0xA000  }
0x28: {  	[sflag:s12] =	ssyncset.done $0x0  }
0x29: {  	s17 =	sadd.s32 $0x3C00, s25;
	[sflag:s12] =	ssyncadd.s32 $0xFFFF6000  }
0x2a: {  	[hbm4b:s17+s3] =	stream.linear.scatter [tilespmem:s8], [sflag:$0x3], $0xA000, $0x38;
	[tilespmem:$0x14A00] =	vst v63  }
0x2b: {  	_ =	swait.ge [sflag:s4], $0xA000  }
0x2c: {  	[sflag:s4] =	ssyncset.done $0x0  }
0x2d: {  	s18 =	simm.s32 $0x640;
	[sflag:s4] =	ssyncadd.s32 $0xFFFF6000  }
0x2e: {  	[tilespmem:s8], [sflag:$0x2] =	stream.indirect.gather [hbm4b:s2+s6], $0x80, s18, s6, $0xb8;
	[tilespmem:$0x14A00] =	vst v63  }
0x2f: {  	_ =	swait.ge [sflag:s9], $0xA000  }
0x30: {  	[sflag:s9] =	ssyncset.done $0x0  }
0x31: {  	s19 =	sadd.s32 $0x5000, s25;
	[sflag:s9] =	ssyncadd.s32 $0xFFFF6000  }
0x32: {  	[hbm4b:s19+s3] =	stream.linear.scatter [tilespmem:s7], [sflag:$0x3], $0xA000, $0x38;
	[tilespmem:$0x14A00] =	vst v63  }
0x33: {  	_ =	swait.ge [sflag:s4], $0xA000  }
0x34: {  	[sflag:s4] =	ssyncset.done $0x0  }
0x35: {  	s20 =	simm.s32 $0x780;
	[sflag:s4] =	ssyncadd.s32 $0xFFFF6000  }
0x36: {  	[tilespmem:s7], [sflag:$0x1] =	stream.indirect.gather [hbm4b:s2+s6], $0x80, s20, s6, $0xb8;
	[tilespmem:$0x14A00] =	vst v63  }
0x37: {  	_ =	swait.ge [sflag:s12], $0xA000  }
0x38: {  	[sflag:s12] =	ssyncset.done $0x0  }
0x39: {  	s21 =	sadd.s32 $0x6400, s25;
	[sflag:s12] =	ssyncadd.s32 $0xFFFF6000  }
0x3a: {  	[hbm4b:s21+s3] =	stream.linear.scatter [tilespmem:s8], [sflag:$0x3], $0xA000, $0x38;
	[tilespmem:$0x14A00] =	vst v63  }
0x3b: {  	_ =	swait.ge [sflag:s4], $0xA000  }
0x3c: {  	[sflag:s4] =	ssyncset.done $0x0  }
0x3d: {  	s22 =	simm.s32 $0x8C0;
	[sflag:s4] =	ssyncadd.s32 $0xFFFF6000  }
0x3e: {  	[tilespmem:s8], [sflag:$0x2] =	stream.indirect.gather [hbm4b:s2+s6], $0x80, s22, s6, $0xb8;
	[tilespmem:$0x14A00] =	vst v63  }
0x3f: {  	_ =	swait.ge [sflag:s9], $0xA000  }
0x40: {  	[sflag:s9] =	ssyncset.done $0x0  }
0x41: {  	s24 =	ssub.s32 $0x2, s24;
	s23 =	sadd.s32 $0x7800, s25;
	[sflag:s9] =	ssyncadd.s32 $0xFFFF6000  }
0x42: {  	[hbm4b:s23+s3] =	stream.linear.scatter [tilespmem:s7], [sflag:$0x3], $0xA000, $0x38;
	[tilespmem:$0x14A00] =	vst v63  }
0x43: {  	s26 =	sshrl.u32 s24, $0x1;
	_ =	swait.ge [sflag:s4], $0xA000  }
0x44: {  	s26 =	ssub.s32 s24, s26;
	[sflag:s4] =	ssyncset.done $0x0  }
0x45: {  	s31 =	smax.u32 s26, $0x1;
	[sflag:s4] =	ssyncadd.s32 $0xFFFF6000  }
0x46: {  	p0 =	sne.s32 s31, $0x1;
	_ =	swait.ge [sflag:s12], $0xA000  }
.Ltmp0:
0x47: {  	[sflag:s12] =	ssyncset.done $0x0;
	(pc) =	sbr.rel @!p0 .LBB2_2-.Ltmp0, $4  }
0x48: {  	s24 =	sadd.s32 $0x8C00, s25;
	[sflag:s12] =	ssyncadd.s32 $0xFFFF6000  }
0x49: {  	[hbm4b:s24+s3] =	stream.linear.scatter [tilespmem:s8], [sflag:$0x3], $0xA000, $0x38;
	[tilespmem:$0x14A00] =	vst v63  }
0x4a: {  	_ =	swait.ge [sflag:s4], $0xA000  }
0x4b: {  	s25 =	sadd.s32 $0xFFFFFFFF, s31;
	[sflag:s4] =	ssyncset.done $0x0  }
.LBB2_1:
0x4c: {  	p0 =	sne.s32 s25, $0x1;
	s25 =	sadd.s32 $0xFFFFFFFF, s25;
	[sflag:s4] =	ssyncadd.s32 $0xFFFF6000  }
0x4d: {  	[tilespmem:s3], [sflag:$0x3] =	stream.linear.gather [hbm4b:s5+s3], $0xA00, $0x38;
	[tilespmem:$0x14A00] =	vst v63  }
0x4e: {  	_ =	swait.ge [sflag:s4], $0xA00  }
0x4f: {  	[sflag:s4] =	ssyncset.done $0x0  }
0x50: {  	[sflag:s4] =	ssyncadd.s32 $0xFFFFF600  }
0x51: {  	[tilespmem:s7], [sflag:$0x1] =	stream.indirect.gather [hbm4b:s2+s6], $0x80, s3, s6, $0xb8;
	[tilespmem:$0x14A00] =	vst v63  }
0x52: {  	_ = 	snop  }
0x53: {  	[tilespmem:s8], [sflag:$0x2] =	stream.indirect.gather [hbm4b:s2+s6], $0x80, s6, s6, $0xb8;
	[tilespmem:$0x14A00] =	vst v63  }
0x54: {  	_ =	swait.ge [sflag:s9], $0xA000  }
0x55: {  	[sflag:s9] =	ssyncset.done $0x0  }
0x56: {  	[sflag:s9] =	ssyncadd.s32 $0xFFFF6000  }
0x57: {  	[hbm4b:s10+s3] =	stream.linear.scatter [tilespmem:s7], [sflag:$0x3], $0xA000, $0x38;
	[tilespmem:$0x14A00] =	vst v63  }
0x58: {  	_ =	swait.ge [sflag:s4], $0xA000  }
0x59: {  	[sflag:s4] =	ssyncset.done $0x0  }
0x5a: {  	[sflag:s4] =	ssyncadd.s32 $0xFFFF6000  }
0x5b: {  	[tilespmem:s7], [sflag:$0x1] =	stream.indirect.gather [hbm4b:s2+s6], $0x80, s11, s6, $0xb8;
	[tilespmem:$0x14A00] =	vst v63  }
0x5c: {  	_ =	swait.ge [sflag:s12], $0xA000  }
0x5d: {  	[sflag:s12] =	ssyncset.done $0x0  }
0x5e: {  	[sflag:s12] =	ssyncadd.s32 $0xFFFF6000  }
0x5f: {  	[hbm4b:s13+s3] =	stream.linear.scatter [tilespmem:s8], [sflag:$0x3], $0xA000, $0x38;
	[tilespmem:$0x14A00] =	vst v63  }
0x60: {  	_ =	swait.ge [sflag:s4], $0xA000  }
0x61: {  	[sflag:s4] =	ssyncset.done $0x0  }
0x62: {  	[sflag:s4] =	ssyncadd.s32 $0xFFFF6000  }
0x63: {  	[tilespmem:s8], [sflag:$0x2] =	stream.indirect.gather [hbm4b:s2+s6], $0x80, s14, s6, $0xb8;
	[tilespmem:$0x14A00] =	vst v63  }
0x64: {  	_ =	swait.ge [sflag:s9], $0xA000  }
0x65: {  	[sflag:s9] =	ssyncset.done $0x0  }
0x66: {  	[sflag:s9] =	ssyncadd.s32 $0xFFFF6000  }
0x67: {  	[hbm4b:s15+s3] =	stream.linear.scatter [tilespmem:s7], [sflag:$0x3], $0xA000, $0x38;
	[tilespmem:$0x14A00] =	vst v63  }
0x68: {  	_ =	swait.ge [sflag:s4], $0xA000  }
0x69: {  	[sflag:s4] =	ssyncset.done $0x0  }
0x6a: {  	[sflag:s4] =	ssyncadd.s32 $0xFFFF6000  }
0x6b: {  	[tilespmem:s7], [sflag:$0x1] =	stream.indirect.gather [hbm4b:s2+s6], $0x80, s16, s6, $0xb8;
	[tilespmem:$0x14A00] =	vst v63  }
0x6c: {  	_ =	swait.ge [sflag:s12], $0xA000  }
0x6d: {  	[sflag:s12] =	ssyncset.done $0x0  }
0x6e: {  	[sflag:s12] =	ssyncadd.s32 $0xFFFF6000  }
0x6f: {  	[hbm4b:s17+s3] =	stream.linear.scatter [tilespmem:s8], [sflag:$0x3], $0xA000, $0x38;
	[tilespmem:$0x14A00] =	vst v63  }
0x70: {  	_ =	swait.ge [sflag:s4], $0xA000  }
0x71: {  	[sflag:s4] =	ssyncset.done $0x0  }
0x72: {  	[sflag:s4] =	ssyncadd.s32 $0xFFFF6000  }
0x73: {  	[tilespmem:s8], [sflag:$0x2] =	stream.indirect.gather [hbm4b:s2+s6], $0x80, s18, s6, $0xb8;
	[tilespmem:$0x14A00] =	vst v63  }
0x74: {  	_ =	swait.ge [sflag:s9], $0xA000  }
0x75: {  	[sflag:s9] =	ssyncset.done $0x0  }
0x76: {  	[sflag:s9] =	ssyncadd.s32 $0xFFFF6000  }
0x77: {  	[hbm4b:s19+s3] =	stream.linear.scatter [tilespmem:s7], [sflag:$0x3], $0xA000, $0x38;
	[tilespmem:$0x14A00] =	vst v63  }
0x78: {  	_ =	swait.ge [sflag:s4], $0xA000  }
0x79: {  	[sflag:s4] =	ssyncset.done $0x0  }
0x7a: {  	[sflag:s4] =	ssyncadd.s32 $0xFFFF6000  }
0x7b: {  	[tilespmem:s7], [sflag:$0x1] =	stream.indirect.gather [hbm4b:s2+s6], $0x80, s20, s6, $0xb8;
	[tilespmem:$0x14A00] =	vst v63  }
0x7c: {  	_ =	swait.ge [sflag:s12], $0xA000  }
0x7d: {  	[sflag:s12] =	ssyncset.done $0x0  }
0x7e: {  	[sflag:s12] =	ssyncadd.s32 $0xFFFF6000  }
0x7f: {  	[hbm4b:s21+s3] =	stream.linear.scatter [tilespmem:s8], [sflag:$0x3], $0xA000, $0x38;
	[tilespmem:$0x14A00] =	vst v63  }
0x80: {  	_ =	swait.ge [sflag:s4], $0xA000  }
0x81: {  	[sflag:s4] =	ssyncset.done $0x0  }
0x82: {  	[sflag:s4] =	ssyncadd.s32 $0xFFFF6000  }
0x83: {  	[tilespmem:s8], [sflag:$0x2] =	stream.indirect.gather [hbm4b:s2+s6], $0x80, s22, s6, $0xb8;
	[tilespmem:$0x14A00] =	vst v63  }
0x84: {  	_ =	swait.ge [sflag:s9], $0xA000  }
0x85: {  	[sflag:s9] =	ssyncset.done $0x0  }
0x86: {  	[sflag:s9] =	ssyncadd.s32 $0xFFFF6000  }
0x87: {  	[hbm4b:s23+s3] =	stream.linear.scatter [tilespmem:s7], [sflag:$0x3], $0xA000, $0x38;
	[tilespmem:$0x14A00] =	vst v63  }
0x88: {  	_ =	swait.ge [sflag:s4], $0xA000  }
0x89: {  	[sflag:s4] =	ssyncset.done $0x0  }
0x8a: {  	[sflag:s4] =	ssyncadd.s32 $0xFFFF6000  }
0x8b: {  	_ =	swait.ge [sflag:s12], $0xA000  }
.Ltmp1:
0x8c: {  	[sflag:s12] =	ssyncset.done $0x0;
	(pc) =	sbr.rel @p0 .LBB2_1-.Ltmp1, $4  }
0x8d: {  	[sflag:s12] =	ssyncadd.s32 $0xFFFF6000  }
0x8e: {  	[hbm4b:s24+s3] =	stream.linear.scatter [tilespmem:s8], [sflag:$0x3], $0xA000, $0x38;
	[tilespmem:$0x14A00] =	vst v63  }
0x8f: {  	_ =	swait.ge [sflag:s4], $0xA000  }
0x90: {  	[sflag:s4] =	ssyncset.done $0x0  }
.LBB2_2:
0x91: {  	[sflag:s4] =	ssyncadd.s32 $0xFFFF6000  }
0x92: {  	_ =	sfence.sel $0x180000  }
0x93: {  	[bflag:$0x0] =	sbarrier.arrive $0xFFFF  }
0x94: {  	p0 =	sne.s32 s0, $0x0;
	_ =	strace $0x90000047  }
0x95: {  	s0 =	sadd.s32 @!p0 $0x100000, s1;
	[bflag:$0x2] =	sbarrier.arrive $0xFFFF  }
0x96: {  	[sflag:s0] =	ssyncadd.tile.s32 @!p0 $0x1;
	_ =	shalt  }
.Lfunc_end2:
_tile_overlayer_lowered:
.L_overlay_start_2:
0x97: {  	(tag) =	ssettag $0x2  }
0x98: {  	s0 =	rddreg [dreg:$0x0];
	s2 =	stileid.u32  }
0x99: {  	s1 =	rddreg [dreg:$0x1];
	p0 =	sne.s32 s2, $0x0  }
0x9a: {  	s3 =	rddreg [dreg:$0x2];
	[bflag:$0x3] =	sbarrier.arrive $0xFFFF;
	s2 =	simm.s32 @!p0 $0x1C03  }
0x9b: {  	[timem:s3], [sflag:s2] =	dma.local @!p0 [hbm:s0], s1  }
0x9c: {  	s0 =	simm.s32 @!p0 $0x3  }
0x9d: {  	_ =	swait.ge @!p0 [sflag:s0], s1  }
0x9e: {  	s1 =	ssub.s32 @!p0 $0x0, s1;
	[sflag:s0] =	ssyncset.done @!p0 $0x0  }
0x9f: {  	[sflag:s0] =	ssyncadd.s32 @!p0 s1  }
0xa0: {  	[bflag:$0x3] =	sbarrier.arrive $0xFFFF  }
0xa1: {  	_ =	shalt  }

</sc_bundles>
